<compile_context>
chip_gen: v7x
topology: tpu7x:2x2x1
jax: 0.10.2.dev20260603
libtpu: 0.0.44.dev20260713+nightly
codegen_flags: <defaults>
</compile_context>

<pallas_src>
import functools

import jax
import jax.numpy as jnp
from jax import lax
from jax.experimental import pallas as pl
from jax.experimental.pallas import tpu as pltpu
from jax.experimental.pallas import tpu_sc as plsc

N = 10000
E = 320000
D = 128
NC = 2
NS = 16
NW = NC * NS
C = 100
EPW = E // NW
NCH = EPW // C
GC = 2
NG = NCH // GC
RPT = 624
REM = N - NS * RPT

_mesh = plsc.VectorSubcoreMesh(core_axis_name="c", subcore_axis_name="s")



def _row_base(idx):
    return pl.multiple_of(idx, 8)


def _init_acc(src_hbm, acc_sh, sid):
    b = _row_base(sid * RPT)
    pltpu.sync_copy(src_hbm.at[pl.ds(b, RPT)], acc_sh.at[pl.ds(b, RPT)])

    @pl.when(sid == 0)
    def _():
        pltpu.sync_copy(src_hbm.at[pl.ds(NS * RPT, REM)],
                        acc_sh.at[pl.ds(NS * RPT, REM)])


def _init_zero(zeros_hbm, acc_sh, sid):
    b = _row_base(sid * RPT)
    pltpu.sync_copy(zeros_hbm, acc_sh.at[pl.ds(b, RPT)])

    @pl.when(sid == 0)
    def _():
        pltpu.sync_copy(zeros_hbm.at[pl.ds(0, REM)],
                        acc_sh.at[pl.ds(NS * RPT, REM)])


def _read_acc(acc_sh, out_hbm, cid, sid):
    b_sh = _row_base(sid * RPT)
    b_out = _row_base(cid * N + sid * RPT)
    pltpu.sync_copy(acc_sh.at[pl.ds(b_sh, RPT)], out_hbm.at[pl.ds(b_out, RPT)])

    @pl.when(sid == 0)
    def _():
        b2 = _row_base(cid * N + NS * RPT)
        pltpu.sync_copy(acc_sh.at[pl.ds(NS * RPT, REM)],
                        out_hbm.at[pl.ds(b2, REM)])


@functools.partial(
    pl.kernel,
    out_type=jax.ShapeDtypeStruct((2 * N, D), jnp.float32),
    mesh=_mesh,
    scratch_types=[
        pltpu.VMEM((GC, C), jnp.int32),
        pltpu.VMEM((GC, C), jnp.int32),
        pltpu.VMEM((C, D), jnp.float32),
        pltpu.VMEM((C, D), jnp.float32),
        pltpu.VMEM_SHARED((N, D), jnp.float32),
        pltpu.SemaphoreType.DMA,
        pltpu.SemaphoreType.DMA,
    ],
)
def _agg_kernel(src_hbm, dst_hbm, hs_hbm, zeros_hbm, out_hbm,
                src_v, dst_v, rows_a, rows_b, acc_sh, sem_a, sem_b):
    cid = lax.axis_index("c")
    sid = lax.axis_index("s")
    wid = sid * NC + cid

    @pl.when(cid == 0)
    def _():
        _init_acc(hs_hbm, acc_sh, sid)

    @pl.when(cid != 0)
    def _():
        _init_zero(zeros_hbm, acc_sh, sid)

    plsc.subcore_barrier()

    def group(g, carry):
        pltpu.sync_copy(src_hbm.at[wid, g], src_v)
        pltpu.sync_copy(dst_hbm.at[wid, g], dst_v)
        pltpu.async_copy(hs_hbm.at[src_v.at[0]], rows_a, sem_a)
        for k in range(GC):
            rows, sem = (rows_a, sem_a) if k % 2 == 0 else (rows_b, sem_b)
            pltpu.make_async_copy(hs_hbm.at[src_v.at[k]], rows, sem).wait()
            if k + 1 < GC:
                nrows, nsem = (rows_b, sem_b) if k % 2 == 0 else (rows_a, sem_a)
                pltpu.async_copy(hs_hbm.at[src_v.at[k + 1]], nrows, nsem)
            pltpu.sync_copy(rows, acc_sh.at[dst_v.at[k]], add=True)
        return carry

    lax.fori_loop(0, NG, group, 0)
    plsc.subcore_barrier()
    _read_acc(acc_sh, out_hbm, cid, sid)



BM = 1000
G = N // BM


def _dinv(dega, degb):
    return lax.rsqrt(dega[:, 0:1] + degb[:, 0:1])


def _pre_body(h_ref, w_ref, dega_ref, degb_ref, o_ref):
    o_ref[...] = _dinv(dega_ref[...], degb_ref[...]) * jnp.dot(
        h_ref[...], w_ref[...], preferred_element_type=jnp.float32)


def _post_body(a0_ref, a1_ref, dega_ref, degb_ref, b_ref, flag_ref, id_ref,
               wn_ref, h_ref, hsn_ref):
    dinv = _dinv(dega_ref[...], degb_ref[...])
    raw = dinv * (a0_ref[...] + a1_ref[...]) + b_ref[...]
    h = jnp.where(flag_ref[...] > 0.0,
                  jnp.maximum(raw, 0.0) + id_ref[...], raw)
    h_ref[...] = h
    hsn_ref[...] = dinv * jnp.dot(h, wn_ref[...],
                                  preferred_element_type=jnp.float32)


def _deg_specs():
    return [
        pl.BlockSpec((BM, D), lambda i: (i, 0)),
        pl.BlockSpec((BM, D), lambda i: (i + G, 0)),
    ]


def _pre_call(h, W, degp):
    return pl.pallas_call(
        _pre_body,
        grid=(G,),
        in_specs=[
            pl.BlockSpec((BM, D), lambda i: (i, 0)),
            pl.BlockSpec((D, D), lambda i: (0, 0)),
            *_deg_specs(),
        ],
        out_specs=pl.BlockSpec((BM, D), lambda i: (i, 0)),
        out_shape=jax.ShapeDtypeStruct((N, D), jnp.float32),
    )(h, W, degp, degp)


def _post_call(agg, degp, b, flag, ident, Wn):
    return pl.pallas_call(
        _post_body,
        grid=(G,),
        in_specs=[
            pl.BlockSpec((BM, D), lambda i: (i, 0)),
            pl.BlockSpec((BM, D), lambda i: (i + G, 0)),
            *_deg_specs(),
            pl.BlockSpec((1, D), lambda i: (0, 0)),
            pl.BlockSpec((1, D), lambda i: (0, 0)),
            pl.BlockSpec((BM, D), lambda i: (i, 0)),
            pl.BlockSpec((D, D), lambda i: (0, 0)),
        ],
        out_specs=[
            pl.BlockSpec((BM, D), lambda i: (i, 0)),
            pl.BlockSpec((BM, D), lambda i: (i, 0)),
        ],
        out_shape=[
            jax.ShapeDtypeStruct((N, D), jnp.float32),
            jax.ShapeDtypeStruct((N, D), jnp.float32),
        ],
    )(agg, agg, degp, degp, b, flag, ident, Wn)



def kernel(x, edge_index, W0, b0, W1, b1, W2, b2):
    ei = edge_index.astype(jnp.int32)
    src2 = ei[0].reshape(NW, NG, GC, C)
    dst2 = ei[1].reshape(NW, NG, GC, C)
    zeros_h = jnp.zeros((RPT, D), jnp.float32)
    ones_n = jnp.ones((N, D), jnp.float32)

    degp = _agg_kernel(src2, dst2, ones_n, zeros_h)

    W2p = jnp.pad(W2, ((0, 0), (0, D - W2.shape[1])))
    b2p = jnp.pad(b2, (0, D - b2.shape[0]))
    Wstk = jnp.stack([W1, W2p, W2p])
    bstk = jnp.stack([b0, b1, b2p]).reshape(3, 1, D)
    flagstk = jnp.broadcast_to(
        jnp.array([1.0, 1.0, 0.0], jnp.float32).reshape(3, 1, 1), (3, 1, D))

    hs0 = _pre_call(x, W0, degp)

    def layer(carry, xs):
        h, hs = carry
        Wn, b, flag = xs
        agg = _agg_kernel(src2, dst2, hs, zeros_h)
        h2, hsn = _post_call(agg, degp, b, flag, h, Wn)
        return (h2, hsn), None

    (h, _), _ = lax.scan(layer, (x, hs0), (Wstk, bstk, flagstk))
    return h[:, :64]

# --- scband reference (transcript-rebuilt; emitter-appended) ---
"""Pipeline reference for scband-simple-gcnres-48455821033980 (READ-ONLY COPY).

The authoritative reference and input builder live on the scoring server;
editing this copy changes nothing except your own understanding.
"""

import jax, jax.numpy as jnp
import numpy as np

N_NODES = 10000
N_EDGES = 320000
D_IN = 128
D_HID = 128
D_OUT = 64


def gcn_conv(x, src, dst, norm, W, b):
    # PyG GCNConv: linear transform, then normalized scatter-add aggregation, then bias
    h = x @ W
    msg = h[src] * norm[:, None]
    out = jnp.zeros((x.shape[0], W.shape[1]), dtype=h.dtype).at[dst].add(msg)
    return out + b


def _build_norm(edge_index, n):
    loops = jnp.arange(n, dtype=edge_index.dtype)
    src = jnp.concatenate([edge_index[0], loops])
    dst = jnp.concatenate([edge_index[1], loops])
    deg = jnp.zeros((n,), dtype=jnp.float32).at[dst].add(1.0)
    dinv = jnp.where(deg > 0, 1.0 / jnp.sqrt(deg), 0.0)
    norm = dinv[src] * dinv[dst]
    return src, dst, norm


def setup_inputs(seed: int = 0) -> dict:
    key = jax.random.key(seed)
    ks = jax.random.split(key, 8)
    x = jax.random.normal(ks[0], (N_NODES, D_IN), dtype=jnp.float32)
    edge_index = jax.random.randint(ks[1], (2, N_EDGES), 0, N_NODES, dtype=jnp.int64)
    s0 = 1.0 / np.sqrt(D_IN)
    s1 = 1.0 / np.sqrt(D_HID)
    W0 = jax.random.uniform(ks[2], (D_IN, D_HID), jnp.float32, -s0, s0)
    b0 = jnp.zeros((D_HID,), jnp.float32)
    W1 = jax.random.uniform(ks[3], (D_HID, D_HID), jnp.float32, -s1, s1)
    b1 = jnp.zeros((D_HID,), jnp.float32)
    W2 = jax.random.uniform(ks[4], (D_HID, D_OUT), jnp.float32, -s1, s1)
    b2 = jnp.zeros((D_OUT,), jnp.float32)
    return {"x": x, "edge_index": edge_index, "W0": W0, "b0": b0, "W1": W1, "b1": b1, "W2": W2, "b2": b2}


def reference(x, edge_index, W0, b0, W1, b1, W2, b2):
    n = x.shape[0]
    src, dst, norm = _build_norm(edge_index, n)
    # layer 0 + residual (num_features == hidden_channels, so no input_proj)
    identity = x
    h = jax.nn.relu(gcn_conv(x, src, dst, norm, W0, b0))
    h = h + identity
    # middle layer + residual (dropout p=0.0 is identity)
    identity = h
    h = jax.nn.relu(gcn_conv(h, src, dst, norm, W1, b1))
    h = h + identity
    # output layer
    out = gcn_conv(h, src, dst, norm, W2, b2)
    return out

if __name__ == "__main__":
    import jax
    _d = setup_inputs()
    print(jax.jit(kernel)(*tuple(_d.values())))

</pallas_src>

<mosaic_0001>
#map = affine_map<(d0, d1) -> (0, 0, 0, 0)>
#map1 = affine_map<(d0, d1) -> (0, 0)>
module attributes {stable_mosaic.version = 14 : i64} {
  func.func @_agg_kernel(%arg0: i32, %arg1: i32, %arg2: memref<32x50x2x100xi32, #tpu.memory_space<hbm>>, %arg3: memref<32x50x2x100xi32, #tpu.memory_space<hbm>>, %arg4: memref<10000x128xf32, #tpu.memory_space<hbm>>, %arg5: memref<624x128xf32, #tpu.memory_space<hbm>>, %arg6: memref<20000x128xf32, #tpu.memory_space<hbm>>, %arg7: memref<2x100xi32, #tpu.memory_space<vmem>>, %arg8: memref<2x100xi32, #tpu.memory_space<vmem>>, %arg9: memref<100x128xf32, #tpu.memory_space<vmem>>, %arg10: memref<100x128xf32, #tpu.memory_space<vmem>>, %arg11: memref<10000x128xf32, #tpu.memory_space<vmem_shared>>, %arg12: memref<!tpu.dma_semaphore, #tpu.memory_space<semaphore_mem>>, %arg13: memref<!tpu.dma_semaphore, #tpu.memory_space<semaphore_mem>>) attributes {dimension_semantics = [#tpu.dimension_semantics<core_parallel>, #tpu.dimension_semantics<subcore_parallel>], iteration_bounds = array<i64: 2, 16>, scalar_prefetch = 0 : i64, scratch_operands = 7 : i64, tpu.core_type = #tpu.core_type<sc_vector_subcore>, window_params = [{transform_indices = #map}, {transform_indices = #map}, {transform_indices = #map1}, {transform_indices = #map1}, {transform_indices = #map1}]} {
    %mul3A = arith.constant 2 : i32
    %mul3A_0 = arith.muli %arg1, %mul3A : i32
    %add3A = arith.addi %mul3A_0, %arg0 : i32
    %eq3A = arith.constant 0 : i32
    %eq3A_1 = arith.cmpi eq, %arg0, %eq3A : i32
    %convert_element_type3A = arith.extui %eq3A_1 : i1 to i32
    %cond3A = arith.constant 0 : i32
    %cond3A_2 = arith.cmpi ne, %convert_element_type3A, %cond3A : i32
    scf.if %cond3A_2 {
      %mul3A_26 = arith.constant 624 : i32
      %mul3A_27 = arith.muli %arg1, %mul3A_26 : i32
      %multiple_of3A_28 = tpu.assume_multiple %mul3A_27, 8 : i32
      "tpu.region"() ({
        %run_scoped3A = tpu.sem_alloc : memref<!tpu.dma_semaphore, #tpu.memory_space<semaphore_mem>>
        %dma_start3A = arith.constant 0 : i32
        %dma_start3A_34 = tpu.memref_slice %arg11[%multiple_of3A_28, %dma_start3A] : memref<10000x128xf32, #tpu.memory_space<vmem_shared>> -> memref<624x128xf32, #tpu.memory_space<vmem_shared>>
        %dma_start3A_35 = arith.constant 0 : i32
        %dma_start3A_36 = tpu.memref_slice %arg4[%multiple_of3A_28, %dma_start3A_35] : memref<10000x128xf32, #tpu.memory_space<hbm>> -> memref<624x128xf32, #tpu.memory_space<hbm>>
        tpu.enqueue_dma source(%dma_start3A_36 : memref<624x128xf32, #tpu.memory_space<hbm>>) target(%dma_start3A_34 : memref<624x128xf32, #tpu.memory_space<vmem_shared>>) target_semaphore(%run_scoped3A : memref<!tpu.dma_semaphore, #tpu.memory_space<semaphore_mem>>)
        %dma_wait3A = arith.constant 0 : i32
        %dma_wait3A_37 = tpu.memref_slice %arg11[%multiple_of3A_28, %dma_wait3A] : memref<10000x128xf32, #tpu.memory_space<vmem_shared>> -> memref<624x128xf32, #tpu.memory_space<vmem_shared>>
        %dma_wait3A_38 = arith.constant 0 : i32
        %dma_wait3A_39 = tpu.memref_slice %arg4[%multiple_of3A_28, %dma_wait3A_38] : memref<10000x128xf32, #tpu.memory_space<hbm>> -> memref<624x128xf32, #tpu.memory_space<hbm>>
        tpu.wait_dma2 semaphore(%run_scoped3A : memref<!tpu.dma_semaphore, #tpu.memory_space<semaphore_mem>>) src(%dma_wait3A_39 : memref<624x128xf32, #tpu.memory_space<hbm>>) dst(%dma_wait3A_37 : memref<624x128xf32, #tpu.memory_space<vmem_shared>>)
        tpu.yield
      }) : () -> ()
      %eq3A_29 = arith.constant 0 : i32
      %eq3A_30 = arith.cmpi eq, %arg1, %eq3A_29 : i32
      %convert_element_type3A_31 = arith.extui %eq3A_30 : i1 to i32
      %cond3A_32 = arith.constant 0 : i32
      %cond3A_33 = arith.cmpi ne, %convert_element_type3A_31, %cond3A_32 : i32
      scf.if %cond3A_33 {
        "tpu.region"() ({
          %run_scoped3A = tpu.sem_alloc : memref<!tpu.dma_semaphore, #tpu.memory_space<semaphore_mem>>
          %dma_start3A = arith.constant 9984 : i32
          %dma_start3A_34 = arith.constant 0 : i32
          %dma_start3A_35 = tpu.memref_slice %arg11[%dma_start3A, %dma_start3A_34] : memref<10000x128xf32, #tpu.memory_space<vmem_shared>> -> memref<16x128xf32, #tpu.memory_space<vmem_shared>>
          %dma_start3A_36 = arith.constant 9984 : i32
          %dma_start3A_37 = arith.constant 0 : i32
          %dma_start3A_38 = tpu.memref_slice %arg4[%dma_start3A_36, %dma_start3A_37] : memref<10000x128xf32, #tpu.memory_space<hbm>> -> memref<16x128xf32, #tpu.memory_space<hbm>>
          tpu.enqueue_dma source(%dma_start3A_38 : memref<16x128xf32, #tpu.memory_space<hbm>>) target(%dma_start3A_35 : memref<16x128xf32, #tpu.memory_space<vmem_shared>>) target_semaphore(%run_scoped3A : memref<!tpu.dma_semaphore, #tpu.memory_space<semaphore_mem>>)
          %dma_wait3A = arith.constant 9984 : i32
          %dma_wait3A_39 = arith.constant 0 : i32
          %dma_wait3A_40 = tpu.memref_slice %arg11[%dma_wait3A, %dma_wait3A_39] : memref<10000x128xf32, #tpu.memory_space<vmem_shared>> -> memref<16x128xf32, #tpu.memory_space<vmem_shared>>
          %dma_wait3A_41 = arith.constant 9984 : i32
          %dma_wait3A_42 = arith.constant 0 : i32
          %dma_wait3A_43 = tpu.memref_slice %arg4[%dma_wait3A_41, %dma_wait3A_42] : memref<10000x128xf32, #tpu.memory_space<hbm>> -> memref<16x128xf32, #tpu.memory_space<hbm>>
          tpu.wait_dma2 semaphore(%run_scoped3A : memref<!tpu.dma_semaphore, #tpu.memory_space<semaphore_mem>>) src(%dma_wait3A_43 : memref<16x128xf32, #tpu.memory_space<hbm>>) dst(%dma_wait3A_40 : memref<16x128xf32, #tpu.memory_space<vmem_shared>>)
          tpu.yield
        }) : () -> ()
      } else {
      }
    } else {
    }
    %ne3A = arith.constant 0 : i32
    %ne3A_3 = arith.cmpi ne, %arg0, %ne3A : i32
    %convert_element_type3A_4 = arith.extui %ne3A_3 : i1 to i32
    %cond3A_5 = arith.constant 0 : i32
    %cond3A_6 = arith.cmpi ne, %convert_element_type3A_4, %cond3A_5 : i32
    scf.if %cond3A_6 {
      %mul3A_26 = arith.constant 624 : i32
      %mul3A_27 = arith.muli %arg1, %mul3A_26 : i32
      %multiple_of3A_28 = tpu.assume_multiple %mul3A_27, 8 : i32
      "tpu.region"() ({
        %run_scoped3A = tpu.sem_alloc : memref<!tpu.dma_semaphore, #tpu.memory_space<semaphore_mem>>
        %dma_start3A = arith.constant 0 : i32
        %dma_start3A_34 = tpu.memref_slice %arg11[%multiple_of3A_28, %dma_start3A] : memref<10000x128xf32, #tpu.memory_space<vmem_shared>> -> memref<624x128xf32, #tpu.memory_space<vmem_shared>>
        tpu.enqueue_dma source(%arg5 : memref<624x128xf32, #tpu.memory_space<hbm>>) target(%dma_start3A_34 : memref<624x128xf32, #tpu.memory_space<vmem_shared>>) target_semaphore(%run_scoped3A : memref<!tpu.dma_semaphore, #tpu.memory_space<semaphore_mem>>)
        %dma_wait3A = arith.constant 0 : i32
        %dma_wait3A_35 = tpu.memref_slice %arg11[%multiple_of3A_28, %dma_wait3A] : memref<10000x128xf32, #tpu.memory_space<vmem_shared>> -> memref<624x128xf32, #tpu.memory_space<vmem_shared>>
        tpu.wait_dma2 semaphore(%run_scoped3A : memref<!tpu.dma_semaphore, #tpu.memory_space<semaphore_mem>>) src(%arg5 : memref<624x128xf32, #tpu.memory_space<hbm>>) dst(%dma_wait3A_35 : memref<624x128xf32, #tpu.memory_space<vmem_shared>>)
        tpu.yield
      }) : () -> ()
      %eq3A_29 = arith.constant 0 : i32
      %eq3A_30 = arith.cmpi eq, %arg1, %eq3A_29 : i32
      %convert_element_type3A_31 = arith.extui %eq3A_30 : i1 to i32
      %cond3A_32 = arith.constant 0 : i32
      %cond3A_33 = arith.cmpi ne, %convert_element_type3A_31, %cond3A_32 : i32
      scf.if %cond3A_33 {
        "tpu.region"() ({
          %run_scoped3A = tpu.sem_alloc : memref<!tpu.dma_semaphore, #tpu.memory_space<semaphore_mem>>
          %dma_start3A = arith.constant 9984 : i32
          %dma_start3A_34 = arith.constant 0 : i32
          %dma_start3A_35 = tpu.memref_slice %arg11[%dma_start3A, %dma_start3A_34] : memref<10000x128xf32, #tpu.memory_space<vmem_shared>> -> memref<16x128xf32, #tpu.memory_space<vmem_shared>>
          %dma_start3A_36 = arith.constant 0 : i32
          %dma_start3A_37 = arith.constant 0 : i32
          %dma_start3A_38 = tpu.memref_slice %arg5[%dma_start3A_36, %dma_start3A_37] : memref<624x128xf32, #tpu.memory_space<hbm>> -> memref<16x128xf32, #tpu.memory_space<hbm>>
          tpu.enqueue_dma source(%dma_start3A_38 : memref<16x128xf32, #tpu.memory_space<hbm>>) target(%dma_start3A_35 : memref<16x128xf32, #tpu.memory_space<vmem_shared>>) target_semaphore(%run_scoped3A : memref<!tpu.dma_semaphore, #tpu.memory_space<semaphore_mem>>)
          %dma_wait3A = arith.constant 9984 : i32
          %dma_wait3A_39 = arith.constant 0 : i32
          %dma_wait3A_40 = tpu.memref_slice %arg11[%dma_wait3A, %dma_wait3A_39] : memref<10000x128xf32, #tpu.memory_space<vmem_shared>> -> memref<16x128xf32, #tpu.memory_space<vmem_shared>>
          %dma_wait3A_41 = arith.constant 0 : i32
          %dma_wait3A_42 = arith.constant 0 : i32
          %dma_wait3A_43 = tpu.memref_slice %arg5[%dma_wait3A_41, %dma_wait3A_42] : memref<624x128xf32, #tpu.memory_space<hbm>> -> memref<16x128xf32, #tpu.memory_space<hbm>>
          tpu.wait_dma2 semaphore(%run_scoped3A : memref<!tpu.dma_semaphore, #tpu.memory_space<semaphore_mem>>) src(%dma_wait3A_43 : memref<16x128xf32, #tpu.memory_space<hbm>>) dst(%dma_wait3A_40 : memref<16x128xf32, #tpu.memory_space<vmem_shared>>)
          tpu.yield
        }) : () -> ()
      } else {
      }
    } else {
    }
    %barrier3A = arith.constant 0 : index
    tpu.barrier barrier_id(%barrier3A)
    %scan3A = arith.constant 0 : i32
    %scan3A_7 = arith.constant 0 : i32
    %scan3A_8 = arith.constant 50 : i32
    %scan3A_9 = arith.addi %scan3A_7, %scan3A_8 : i32
    %scan3A_10 = arith.constant 1 : i32
    scf.for %scan3A_26 = %scan3A_7 to %scan3A_9 step %scan3A_10  : i32 {
      "tpu.region"() ({
        %run_scoped3A_54 = tpu.sem_alloc : memref<!tpu.dma_semaphore, #tpu.memory_space<semaphore_mem>>
        %dma_start3A_55 = arith.constant 0 : i32
        %dma_start3A_56 = arith.constant 0 : i32
        %dma_start3A_57 = tpu.memref_slice %arg2[%add3A, %scan3A_26, %dma_start3A_55, %dma_start3A_56] : memref<32x50x2x100xi32, #tpu.memory_space<hbm>> -> memref<1x1x2x100xi32, #tpu.memory_space<hbm>>
        %dma_start3A_58 = tpu.memref_squeeze %dma_start3A_57 : memref<1x1x2x100xi32, #tpu.memory_space<hbm>> -> memref<2x100xi32, #tpu.memory_space<hbm>>
        %dma_start3A_59 = arith.constant 0 : i32
        %dma_start3A_60 = arith.constant 0 : i32
        %dma_start3A_61 = tpu.memref_slice %arg2[%add3A, %scan3A_26, %dma_start3A_59, %dma_start3A_60] : memref<32x50x2x100xi32, #tpu.memory_space<hbm>> -> memref<1x1x2x100xi32, #tpu.memory_space<hbm>>
        %dma_start3A_62 = tpu.memref_squeeze %dma_start3A_61 : memref<1x1x2x100xi32, #tpu.memory_space<hbm>> -> memref<2x100xi32, #tpu.memory_space<hbm>>
        tpu.enqueue_dma source(%dma_start3A_62 : memref<2x100xi32, #tpu.memory_space<hbm>>) target(%arg7 : memref<2x100xi32, #tpu.memory_space<vmem>>) target_semaphore(%run_scoped3A_54 : memref<!tpu.dma_semaphore, #tpu.memory_space<semaphore_mem>>)
        %dma_wait3A_63 = arith.constant 0 : i32
        %dma_wait3A_64 = arith.constant 0 : i32
        %dma_wait3A_65 = tpu.memref_slice %arg2[%add3A, %scan3A_26, %dma_wait3A_63, %dma_wait3A_64] : memref<32x50x2x100xi32, #tpu.memory_space<hbm>> -> memref<1x1x2x100xi32, #tpu.memory_space<hbm>>
        %dma_wait3A_66 = tpu.memref_squeeze %dma_wait3A_65 : memref<1x1x2x100xi32, #tpu.memory_space<hbm>> -> memref<2x100xi32, #tpu.memory_space<hbm>>
        %dma_wait3A_67 = arith.constant 0 : i32
        %dma_wait3A_68 = arith.constant 0 : i32
        %dma_wait3A_69 = tpu.memref_slice %arg2[%add3A, %scan3A_26, %dma_wait3A_67, %dma_wait3A_68] : memref<32x50x2x100xi32, #tpu.memory_space<hbm>> -> memref<1x1x2x100xi32, #tpu.memory_space<hbm>>
        %dma_wait3A_70 = tpu.memref_squeeze %dma_wait3A_69 : memref<1x1x2x100xi32, #tpu.memory_space<hbm>> -> memref<2x100xi32, #tpu.memory_space<hbm>>
        tpu.wait_dma2 semaphore(%run_scoped3A_54 : memref<!tpu.dma_semaphore, #tpu.memory_space<semaphore_mem>>) src(%dma_wait3A_70 : memref<2x100xi32, #tpu.memory_space<hbm>>) dst(%arg7 : memref<2x100xi32, #tpu.memory_space<vmem>>)
        tpu.yield
      }) : () -> ()
      "tpu.region"() ({
        %run_scoped3A_54 = tpu.sem_alloc : memref<!tpu.dma_semaphore, #tpu.memory_space<semaphore_mem>>
        %dma_start3A_55 = arith.constant 0 : i32
        %dma_start3A_56 = arith.constant 0 : i32
        %dma_start3A_57 = tpu.memref_slice %arg3[%add3A, %scan3A_26, %dma_start3A_55, %dma_start3A_56] : memref<32x50x2x100xi32, #tpu.memory_space<hbm>> -> memref<1x1x2x100xi32, #tpu.memory_space<hbm>>
        %dma_start3A_58 = tpu.memref_squeeze %dma_start3A_57 : memref<1x1x2x100xi32, #tpu.memory_space<hbm>> -> memref<2x100xi32, #tpu.memory_space<hbm>>
        %dma_start3A_59 = arith.constant 0 : i32
        %dma_start3A_60 = arith.constant 0 : i32
        %dma_start3A_61 = tpu.memref_slice %arg3[%add3A, %scan3A_26, %dma_start3A_59, %dma_start3A_60] : memref<32x50x2x100xi32, #tpu.memory_space<hbm>> -> memref<1x1x2x100xi32, #tpu.memory_space<hbm>>
        %dma_start3A_62 = tpu.memref_squeeze %dma_start3A_61 : memref<1x1x2x100xi32, #tpu.memory_space<hbm>> -> memref<2x100xi32, #tpu.memory_space<hbm>>
        tpu.enqueue_dma source(%dma_start3A_62 : memref<2x100xi32, #tpu.memory_space<hbm>>) target(%arg8 : memref<2x100xi32, #tpu.memory_space<vmem>>) target_semaphore(%run_scoped3A_54 : memref<!tpu.dma_semaphore, #tpu.memory_space<semaphore_mem>>)
        %dma_wait3A_63 = arith.constant 0 : i32
        %dma_wait3A_64 = arith.constant 0 : i32
        %dma_wait3A_65 = tpu.memref_slice %arg3[%add3A, %scan3A_26, %dma_wait3A_63, %dma_wait3A_64] : memref<32x50x2x100xi32, #tpu.memory_space<hbm>> -> memref<1x1x2x100xi32, #tpu.memory_space<hbm>>
        %dma_wait3A_66 = tpu.memref_squeeze %dma_wait3A_65 : memref<1x1x2x100xi32, #tpu.memory_space<hbm>> -> memref<2x100xi32, #tpu.memory_space<hbm>>
        %dma_wait3A_67 = arith.constant 0 : i32
        %dma_wait3A_68 = arith.constant 0 : i32
        %dma_wait3A_69 = tpu.memref_slice %arg3[%add3A, %scan3A_26, %dma_wait3A_67, %dma_wait3A_68] : memref<32x50x2x100xi32, #tpu.memory_space<hbm>> -> memref<1x1x2x100xi32, #tpu.memory_space<hbm>>
        %dma_wait3A_70 = tpu.memref_squeeze %dma_wait3A_69 : memref<1x1x2x100xi32, #tpu.memory_space<hbm>> -> memref<2x100xi32, #tpu.memory_space<hbm>>
        tpu.wait_dma2 semaphore(%run_scoped3A_54 : memref<!tpu.dma_semaphore, #tpu.memory_space<semaphore_mem>>) src(%dma_wait3A_70 : memref<2x100xi32, #tpu.memory_space<hbm>>) dst(%arg8 : memref<2x100xi32, #tpu.memory_space<vmem>>)
        tpu.yield
      }) : () -> ()
      %dma_start3A = arith.constant 0 : i32
      %dma_start3A_27 = arith.constant 0 : i32
      %dma_start3A_28 = tpu.memref_slice %arg7[%dma_start3A, %dma_start3A_27] : memref<2x100xi32, #tpu.memory_space<vmem>> -> memref<1x100xi32, #tpu.memory_space<vmem>>
      %dma_start3A_29 = tpu.memref_squeeze %dma_start3A_28 : memref<1x100xi32, #tpu.memory_space<vmem>> -> memref<100xi32, #tpu.memory_space<vmem>>
      %dma_start3A_30 = arith.constant 0 : i32
      %dma_start3A_31 = arith.constant 0 : i32
      %dma_start3A_32 = tpu.memref_slice %arg4[%dma_start3A_30, %dma_start3A_31] : memref<10000x128xf32, #tpu.memory_space<hbm>> -> memref<10000x128xf32, #tpu.memory_space<hbm>>
      tpu.enqueue_indirect_dma source(%dma_start3A_32 : memref<10000x128xf32, #tpu.memory_space<hbm>>) target(%arg9 : memref<100x128xf32, #tpu.memory_space<vmem>>) offsets(%dma_start3A_29 : memref<100xi32, #tpu.memory_space<vmem>>) semaphore(%arg12 : memref<!tpu.dma_semaphore, #tpu.memory_space<semaphore_mem>>)
      %dma_wait3A = arith.constant 0 : i32
      %dma_wait3A_33 = arith.constant 0 : i32
      %dma_wait3A_34 = tpu.memref_slice %arg7[%dma_wait3A, %dma_wait3A_33] : memref<2x100xi32, #tpu.memory_space<vmem>> -> memref<1x100xi32, #tpu.memory_space<vmem>>
      %dma_wait3A_35 = tpu.memref_squeeze %dma_wait3A_34 : memref<1x100xi32, #tpu.memory_space<vmem>> -> memref<100xi32, #tpu.memory_space<vmem>>
      %dma_wait3A_36 = arith.constant 0 : i32
      %dma_wait3A_37 = arith.constant 0 : i32
      %dma_wait3A_38 = tpu.memref_slice %arg4[%dma_wait3A_36, %dma_wait3A_37] : memref<10000x128xf32, #tpu.memory_space<hbm>> -> memref<10000x128xf32, #tpu.memory_space<hbm>>
      tpu.wait_indirect_dma semaphore(%arg12 : memref<!tpu.dma_semaphore, #tpu.memory_space<semaphore_mem>>) src(%dma_wait3A_38 : memref<10000x128xf32, #tpu.memory_space<hbm>>) dst(%arg9 : memref<100x128xf32, #tpu.memory_space<vmem>>)
      %dma_start3A_39 = arith.constant 1 : i32
      %dma_start3A_40 = arith.constant 0 : i32
      %dma_start3A_41 = tpu.memref_slice %arg7[%dma_start3A_39, %dma_start3A_40] : memref<2x100xi32, #tpu.memory_space<vmem>> -> memref<1x100xi32, #tpu.memory_space<vmem>>
      %dma_start3A_42 = tpu.memref_squeeze %dma_start3A_41 : memref<1x100xi32, #tpu.memory_space<vmem>> -> memref<100xi32, #tpu.memory_space<vmem>>
      %dma_start3A_43 = arith.constant 0 : i32
      %dma_start3A_44 = arith.constant 0 : i32
      %dma_start3A_45 = tpu.memref_slice %arg4[%dma_start3A_43, %dma_start3A_44] : memref<10000x128xf32, #tpu.memory_space<hbm>> -> memref<10000x128xf32, #tpu.memory_space<hbm>>
      tpu.enqueue_indirect_dma source(%dma_start3A_45 : memref<10000x128xf32, #tpu.memory_space<hbm>>) target(%arg10 : memref<100x128xf32, #tpu.memory_space<vmem>>) offsets(%dma_start3A_42 : memref<100xi32, #tpu.memory_space<vmem>>) semaphore(%arg13 : memref<!tpu.dma_semaphore, #tpu.memory_space<semaphore_mem>>)
      %run_scoped3A = arith.constant 0 : i32
      "tpu.region"() ({
        %run_scoped3A_54 = tpu.sem_alloc : memref<!tpu.dma_semaphore, #tpu.memory_space<semaphore_mem>>
        %dma_start3A_55 = arith.constant 0 : i32
        %dma_start3A_56 = tpu.memref_slice %arg8[%run_scoped3A, %dma_start3A_55] : memref<2x100xi32, #tpu.memory_space<vmem>> -> memref<1x100xi32, #tpu.memory_space<vmem>>
        %dma_start3A_57 = tpu.memref_squeeze %dma_start3A_56 : memref<1x100xi32, #tpu.memory_space<vmem>> -> memref<100xi32, #tpu.memory_space<vmem>>
        %dma_start3A_58 = arith.constant 0 : i32
        %dma_start3A_59 = arith.constant 0 : i32
        %dma_start3A_60 = tpu.memref_slice %arg11[%dma_start3A_58, %dma_start3A_59] : memref<10000x128xf32, #tpu.memory_space<vmem_shared>> -> memref<10000x128xf32, #tpu.memory_space<vmem_shared>>
        tpu.enqueue_indirect_dma source(%arg9 : memref<100x128xf32, #tpu.memory_space<vmem>>) target(%dma_start3A_60 : memref<10000x128xf32, #tpu.memory_space<vmem_shared>>) offsets(%dma_start3A_57 : memref<100xi32, #tpu.memory_space<vmem>>) semaphore(%run_scoped3A_54 : memref<!tpu.dma_semaphore, #tpu.memory_space<semaphore_mem>>) {add = true}
        %dma_wait3A_61 = arith.constant 0 : i32
        %dma_wait3A_62 = tpu.memref_slice %arg8[%run_scoped3A, %dma_wait3A_61] : memref<2x100xi32, #tpu.memory_space<vmem>> -> memref<1x100xi32, #tpu.memory_space<vmem>>
        %dma_wait3A_63 = tpu.memref_squeeze %dma_wait3A_62 : memref<1x100xi32, #tpu.memory_space<vmem>> -> memref<100xi32, #tpu.memory_space<vmem>>
        %dma_wait3A_64 = arith.constant 0 : i32
        %dma_wait3A_65 = arith.constant 0 : i32
        %dma_wait3A_66 = tpu.memref_slice %arg11[%dma_wait3A_64, %dma_wait3A_65] : memref<10000x128xf32, #tpu.memory_space<vmem_shared>> -> memref<10000x128xf32, #tpu.memory_space<vmem_shared>>
        tpu.wait_indirect_dma semaphore(%run_scoped3A_54 : memref<!tpu.dma_semaphore, #tpu.memory_space<semaphore_mem>>) src(%arg9 : memref<100x128xf32, #tpu.memory_space<vmem>>) dst(%dma_wait3A_66 : memref<10000x128xf32, #tpu.memory_space<vmem_shared>>)
        tpu.yield
      }) : () -> ()
      %dma_wait3A_46 = arith.constant 1 : i32
      %dma_wait3A_47 = arith.constant 0 : i32
      %dma_wait3A_48 = tpu.memref_slice %arg7[%dma_wait3A_46, %dma_wait3A_47] : memref<2x100xi32, #tpu.memory_space<vmem>> -> memref<1x100xi32, #tpu.memory_space<vmem>>
      %dma_wait3A_49 = tpu.memref_squeeze %dma_wait3A_48 : memref<1x100xi32, #tpu.memory_space<vmem>> -> memref<100xi32, #tpu.memory_space<vmem>>
      %dma_wait3A_50 = arith.constant 0 : i32
      %dma_wait3A_51 = arith.constant 0 : i32
      %dma_wait3A_52 = tpu.memref_slice %arg4[%dma_wait3A_50, %dma_wait3A_51] : memref<10000x128xf32, #tpu.memory_space<hbm>> -> memref<10000x128xf32, #tpu.memory_space<hbm>>
      tpu.wait_indirect_dma semaphore(%arg13 : memref<!tpu.dma_semaphore, #tpu.memory_space<semaphore_mem>>) src(%dma_wait3A_52 : memref<10000x128xf32, #tpu.memory_space<hbm>>) dst(%arg10 : memref<100x128xf32, #tpu.memory_space<vmem>>)
      %run_scoped3A_53 = arith.constant 1 : i32
      "tpu.region"() ({
        %run_scoped3A_54 = tpu.sem_alloc : memref<!tpu.dma_semaphore, #tpu.memory_space<semaphore_mem>>
        %dma_start3A_55 = arith.constant 0 : i32
        %dma_start3A_56 = tpu.memref_slice %arg8[%run_scoped3A_53, %dma_start3A_55] : memref<2x100xi32, #tpu.memory_space<vmem>> -> memref<1x100xi32, #tpu.memory_space<vmem>>
        %dma_start3A_57 = tpu.memref_squeeze %dma_start3A_56 : memref<1x100xi32, #tpu.memory_space<vmem>> -> memref<100xi32, #tpu.memory_space<vmem>>
        %dma_start3A_58 = arith.constant 0 : i32
        %dma_start3A_59 = arith.constant 0 : i32
        %dma_start3A_60 = tpu.memref_slice %arg11[%dma_start3A_58, %dma_start3A_59] : memref<10000x128xf32, #tpu.memory_space<vmem_shared>> -> memref<10000x128xf32, #tpu.memory_space<vmem_shared>>
        tpu.enqueue_indirect_dma source(%arg10 : memref<100x128xf32, #tpu.memory_space<vmem>>) target(%dma_start3A_60 : memref<10000x128xf32, #tpu.memory_space<vmem_shared>>) offsets(%dma_start3A_57 : memref<100xi32, #tpu.memory_space<vmem>>) semaphore(%run_scoped3A_54 : memref<!tpu.dma_semaphore, #tpu.memory_space<semaphore_mem>>) {add = true}
        %dma_wait3A_61 = arith.constant 0 : i32
        %dma_wait3A_62 = tpu.memref_slice %arg8[%run_scoped3A_53, %dma_wait3A_61] : memref<2x100xi32, #tpu.memory_space<vmem>> -> memref<1x100xi32, #tpu.memory_space<vmem>>
        %dma_wait3A_63 = tpu.memref_squeeze %dma_wait3A_62 : memref<1x100xi32, #tpu.memory_space<vmem>> -> memref<100xi32, #tpu.memory_space<vmem>>
        %dma_wait3A_64 = arith.constant 0 : i32
        %dma_wait3A_65 = arith.constant 0 : i32
        %dma_wait3A_66 = tpu.memref_slice %arg11[%dma_wait3A_64, %dma_wait3A_65] : memref<10000x128xf32, #tpu.memory_space<vmem_shared>> -> memref<10000x128xf32, #tpu.memory_space<vmem_shared>>
        tpu.wait_indirect_dma semaphore(%run_scoped3A_54 : memref<!tpu.dma_semaphore, #tpu.memory_space<semaphore_mem>>) src(%arg10 : memref<100x128xf32, #tpu.memory_space<vmem>>) dst(%dma_wait3A_66 : memref<10000x128xf32, #tpu.memory_space<vmem_shared>>)
        tpu.yield
      }) : () -> ()
    }
    %scan3A_11 = arith.constant 50 : i32
    %barrier3A_12 = arith.constant 0 : index
    tpu.barrier barrier_id(%barrier3A_12)
    %mul3A_13 = arith.constant 624 : i32
    %mul3A_14 = arith.muli %arg1, %mul3A_13 : i32
    %multiple_of3A = tpu.assume_multiple %mul3A_14, 8 : i32
    %mul3A_15 = arith.constant 10000 : i32
    %mul3A_16 = arith.muli %arg0, %mul3A_15 : i32
    %mul3A_17 = arith.constant 624 : i32
    %mul3A_18 = arith.muli %arg1, %mul3A_17 : i32
    %add3A_19 = arith.addi %mul3A_16, %mul3A_18 : i32
    %multiple_of3A_20 = tpu.assume_multiple %add3A_19, 8 : i32
    "tpu.region"() ({
      %run_scoped3A = tpu.sem_alloc : memref<!tpu.dma_semaphore, #tpu.memory_space<semaphore_mem>>
      %dma_start3A = arith.constant 0 : i32
      %dma_start3A_26 = tpu.memref_slice %arg6[%multiple_of3A_20, %dma_start3A] : memref<20000x128xf32, #tpu.memory_space<hbm>> -> memref<624x128xf32, #tpu.memory_space<hbm>>
      %dma_start3A_27 = arith.constant 0 : i32
      %dma_start3A_28 = tpu.memref_slice %arg11[%multiple_of3A, %dma_start3A_27] : memref<10000x128xf32, #tpu.memory_space<vmem_shared>> -> memref<624x128xf32, #tpu.memory_space<vmem_shared>>
      tpu.enqueue_dma source(%dma_start3A_28 : memref<624x128xf32, #tpu.memory_space<vmem_shared>>) target(%dma_start3A_26 : memref<624x128xf32, #tpu.memory_space<hbm>>) target_semaphore(%run_scoped3A : memref<!tpu.dma_semaphore, #tpu.memory_space<semaphore_mem>>)
      %dma_wait3A = arith.constant 0 : i32
      %dma_wait3A_29 = tpu.memref_slice %arg6[%multiple_of3A_20, %dma_wait3A] : memref<20000x128xf32, #tpu.memory_space<hbm>> -> memref<624x128xf32, #tpu.memory_space<hbm>>
      %dma_wait3A_30 = arith.constant 0 : i32
      %dma_wait3A_31 = tpu.memref_slice %arg11[%multiple_of3A, %dma_wait3A_30] : memref<10000x128xf32, #tpu.memory_space<vmem_shared>> -> memref<624x128xf32, #tpu.memory_space<vmem_shared>>
      tpu.wait_dma2 semaphore(%run_scoped3A : memref<!tpu.dma_semaphore, #tpu.memory_space<semaphore_mem>>) src(%dma_wait3A_31 : memref<624x128xf32, #tpu.memory_space<vmem_shared>>) dst(%dma_wait3A_29 : memref<624x128xf32, #tpu.memory_space<hbm>>)
      tpu.yield
    }) : () -> ()
    %eq3A_21 = arith.constant 0 : i32
    %eq3A_22 = arith.cmpi eq, %arg1, %eq3A_21 : i32
    %convert_element_type3A_23 = arith.extui %eq3A_22 : i1 to i32
    %cond3A_24 = arith.constant 0 : i32
    %cond3A_25 = arith.cmpi ne, %convert_element_type3A_23, %cond3A_24 : i32
    scf.if %cond3A_25 {
      %mul3A_26 = arith.constant 10000 : i32
      %mul3A_27 = arith.muli %arg0, %mul3A_26 : i32
      %add3A_28 = arith.constant 9984 : i32
      %add3A_29 = arith.addi %mul3A_27, %add3A_28 : i32
      %multiple_of3A_30 = tpu.assume_multiple %add3A_29, 8 : i32
      "tpu.region"() ({
        %run_scoped3A = tpu.sem_alloc : memref<!tpu.dma_semaphore, #tpu.memory_space<semaphore_mem>>
        %dma_start3A = arith.constant 0 : i32
        %dma_start3A_31 = tpu.memref_slice %arg6[%multiple_of3A_30, %dma_start3A] : memref<20000x128xf32, #tpu.memory_space<hbm>> -> memref<16x128xf32, #tpu.memory_space<hbm>>
        %dma_start3A_32 = arith.constant 9984 : i32
        %dma_start3A_33 = arith.constant 0 : i32
        %dma_start3A_34 = tpu.memref_slice %arg11[%dma_start3A_32, %dma_start3A_33] : memref<10000x128xf32, #tpu.memory_space<vmem_shared>> -> memref<16x128xf32, #tpu.memory_space<vmem_shared>>
        tpu.enqueue_dma source(%dma_start3A_34 : memref<16x128xf32, #tpu.memory_space<vmem_shared>>) target(%dma_start3A_31 : memref<16x128xf32, #tpu.memory_space<hbm>>) target_semaphore(%run_scoped3A : memref<!tpu.dma_semaphore, #tpu.memory_space<semaphore_mem>>)
        %dma_wait3A = arith.constant 0 : i32
        %dma_wait3A_35 = tpu.memref_slice %arg6[%multiple_of3A_30, %dma_wait3A] : memref<20000x128xf32, #tpu.memory_space<hbm>> -> memref<16x128xf32, #tpu.memory_space<hbm>>
        %dma_wait3A_36 = arith.constant 9984 : i32
        %dma_wait3A_37 = arith.constant 0 : i32
        %dma_wait3A_38 = tpu.memref_slice %arg11[%dma_wait3A_36, %dma_wait3A_37] : memref<10000x128xf32, #tpu.memory_space<vmem_shared>> -> memref<16x128xf32, #tpu.memory_space<vmem_shared>>
        tpu.wait_dma2 semaphore(%run_scoped3A : memref<!tpu.dma_semaphore, #tpu.memory_space<semaphore_mem>>) src(%dma_wait3A_38 : memref<16x128xf32, #tpu.memory_space<vmem_shared>>) dst(%dma_wait3A_35 : memref<16x128xf32, #tpu.memory_space<hbm>>)
        tpu.yield
      }) : () -> ()
    } else {
    }
    return
  }
}

#map = affine_map<(d0, d1) -> (0, 0, 0, 0)>
#map1 = affine_map<(d0, d1) -> (0, 0)>
module attributes {stable_mosaic.version = 14 : i64} {
  func.func @_agg_kernel(%arg0: i32, %arg1: i32, %arg2: memref<32x50x2x100xi32, #tpu.memory_space<hbm>>, %arg3: memref<32x50x2x100xi32, #tpu.memory_space<hbm>>, %arg4: memref<10000x128xf32, #tpu.memory_space<hbm>>, %arg5: memref<624x128xf32, #tpu.memory_space<hbm>>, %arg6: memref<20000x128xf32, #tpu.memory_space<hbm>>, %arg7: memref<2x100xi32, #tpu.memory_space<vmem>>, %arg8: memref<2x100xi32, #tpu.memory_space<vmem>>, %arg9: memref<100x128xf32, #tpu.memory_space<vmem>>, %arg10: memref<100x128xf32, #tpu.memory_space<vmem>>, %arg11: memref<10000x128xf32, #tpu.memory_space<vmem_shared>>, %arg12: memref<!tpu.dma_semaphore, #tpu.memory_space<semaphore_mem>>, %arg13: memref<!tpu.dma_semaphore, #tpu.memory_space<semaphore_mem>>) attributes {dimension_semantics = [#tpu.dimension_semantics<core_parallel>, #tpu.dimension_semantics<subcore_parallel>], iteration_bounds = array<i64: 2, 16>, scalar_prefetch = 0 : i64, scratch_operands = 7 : i64, tpu.core_type = #tpu.core_type<sc_vector_subcore>, window_params = [{transform_indices = #map}, {transform_indices = #map}, {transform_indices = #map1}, {transform_indices = #map1}, {transform_indices = #map1}]} {
    %mul3A = arith.constant 2 : i32
    %mul3A_0 = arith.muli %arg1, %mul3A : i32
    %add3A = arith.addi %mul3A_0, %arg0 : i32
    %eq3A = arith.constant 0 : i32
    %eq3A_1 = arith.cmpi eq, %arg0, %eq3A : i32
    %convert_element_type3A = arith.extui %eq3A_1 : i1 to i32
    %cond3A = arith.constant 0 : i32
    %cond3A_2 = arith.cmpi ne, %convert_element_type3A, %cond3A : i32
    scf.if %cond3A_2 {
      %mul3A_26 = arith.constant 624 : i32
      %mul3A_27 = arith.muli %arg1, %mul3A_26 : i32
      %multiple_of3A_28 = tpu.assume_multiple %mul3A_27, 8 : i32
      "tpu.region"() ({
        %run_scoped3A = tpu.sem_alloc : memref<!tpu.dma_semaphore, #tpu.memory_space<semaphore_mem>>
        %dma_start3A = arith.constant 0 : i32
        %dma_start3A_34 = tpu.memref_slice %arg11[%multiple_of3A_28, %dma_start3A] : memref<10000x128xf32, #tpu.memory_space<vmem_shared>> -> memref<624x128xf32, #tpu.memory_space<vmem_shared>>
        %dma_start3A_35 = arith.constant 0 : i32
        %dma_start3A_36 = tpu.memref_slice %arg4[%multiple_of3A_28, %dma_start3A_35] : memref<10000x128xf32, #tpu.memory_space<hbm>> -> memref<624x128xf32, #tpu.memory_space<hbm>>
        tpu.enqueue_dma source(%dma_start3A_36 : memref<624x128xf32, #tpu.memory_space<hbm>>) target(%dma_start3A_34 : memref<624x128xf32, #tpu.memory_space<vmem_shared>>) target_semaphore(%run_scoped3A : memref<!tpu.dma_semaphore, #tpu.memory_space<semaphore_mem>>)
        %dma_wait3A = arith.constant 0 : i32
        %dma_wait3A_37 = tpu.memref_slice %arg11[%multiple_of3A_28, %dma_wait3A] : memref<10000x128xf32, #tpu.memory_space<vmem_shared>> -> memref<624x128xf32, #tpu.memory_space<vmem_shared>>
        %dma_wait3A_38 = arith.constant 0 : i32
        %dma_wait3A_39 = tpu.memref_slice %arg4[%multiple_of3A_28, %dma_wait3A_38] : memref<10000x128xf32, #tpu.memory_space<hbm>> -> memref<624x128xf32, #tpu.memory_space<hbm>>
        tpu.wait_dma2 semaphore(%run_scoped3A : memref<!tpu.dma_semaphore, #tpu.memory_space<semaphore_mem>>) src(%dma_wait3A_39 : memref<624x128xf32, #tpu.memory_space<hbm>>) dst(%dma_wait3A_37 : memref<624x128xf32, #tpu.memory_space<vmem_shared>>)
        tpu.yield
      }) : () -> ()
      %eq3A_29 = arith.constant 0 : i32
      %eq3A_30 = arith.cmpi eq, %arg1, %eq3A_29 : i32
      %convert_element_type3A_31 = arith.extui %eq3A_30 : i1 to i32
      %cond3A_32 = arith.constant 0 : i32
      %cond3A_33 = arith.cmpi ne, %convert_element_type3A_31, %cond3A_32 : i32
      scf.if %cond3A_33 {
        "tpu.region"() ({
          %run_scoped3A = tpu.sem_alloc : memref<!tpu.dma_semaphore, #tpu.memory_space<semaphore_mem>>
          %dma_start3A = arith.constant 9984 : i32
          %dma_start3A_34 = arith.constant 0 : i32
          %dma_start3A_35 = tpu.memref_slice %arg11[%dma_start3A, %dma_start3A_34] : memref<10000x128xf32, #tpu.memory_space<vmem_shared>> -> memref<16x128xf32, #tpu.memory_space<vmem_shared>>
          %dma_start3A_36 = arith.constant 9984 : i32
          %dma_start3A_37 = arith.constant 0 : i32
          %dma_start3A_38 = tpu.memref_slice %arg4[%dma_start3A_36, %dma_start3A_37] : memref<10000x128xf32, #tpu.memory_space<hbm>> -> memref<16x128xf32, #tpu.memory_space<hbm>>
          tpu.enqueue_dma source(%dma_start3A_38 : memref<16x128xf32, #tpu.memory_space<hbm>>) target(%dma_start3A_35 : memref<16x128xf32, #tpu.memory_space<vmem_shared>>) target_semaphore(%run_scoped3A : memref<!tpu.dma_semaphore, #tpu.memory_space<semaphore_mem>>)
          %dma_wait3A = arith.constant 9984 : i32
          %dma_wait3A_39 = arith.constant 0 : i32
          %dma_wait3A_40 = tpu.memref_slice %arg11[%dma_wait3A, %dma_wait3A_39] : memref<10000x128xf32, #tpu.memory_space<vmem_shared>> -> memref<16x128xf32, #tpu.memory_space<vmem_shared>>
          %dma_wait3A_41 = arith.constant 9984 : i32
          %dma_wait3A_42 = arith.constant 0 : i32
          %dma_wait3A_43 = tpu.memref_slice %arg4[%dma_wait3A_41, %dma_wait3A_42] : memref<10000x128xf32, #tpu.memory_space<hbm>> -> memref<16x128xf32, #tpu.memory_space<hbm>>
          tpu.wait_dma2 semaphore(%run_scoped3A : memref<!tpu.dma_semaphore, #tpu.memory_space<semaphore_mem>>) src(%dma_wait3A_43 : memref<16x128xf32, #tpu.memory_space<hbm>>) dst(%dma_wait3A_40 : memref<16x128xf32, #tpu.memory_space<vmem_shared>>)
          tpu.yield
        }) : () -> ()
      } else {
      }
    } else {
    }
    %ne3A = arith.constant 0 : i32
    %ne3A_3 = arith.cmpi ne, %arg0, %ne3A : i32
    %convert_element_type3A_4 = arith.extui %ne3A_3 : i1 to i32
    %cond3A_5 = arith.constant 0 : i32
    %cond3A_6 = arith.cmpi ne, %convert_element_type3A_4, %cond3A_5 : i32
    scf.if %cond3A_6 {
      %mul3A_26 = arith.constant 624 : i32
      %mul3A_27 = arith.muli %arg1, %mul3A_26 : i32
      %multiple_of3A_28 = tpu.assume_multiple %mul3A_27, 8 : i32
      "tpu.region"() ({
        %run_scoped3A = tpu.sem_alloc : memref<!tpu.dma_semaphore, #tpu.memory_space<semaphore_mem>>
        %dma_start3A = arith.constant 0 : i32
        %dma_start3A_34 = tpu.memref_slice %arg11[%multiple_of3A_28, %dma_start3A] : memref<10000x128xf32, #tpu.memory_space<vmem_shared>> -> memref<624x128xf32, #tpu.memory_space<vmem_shared>>
        tpu.enqueue_dma source(%arg5 : memref<624x128xf32, #tpu.memory_space<hbm>>) target(%dma_start3A_34 : memref<624x128xf32, #tpu.memory_space<vmem_shared>>) target_semaphore(%run_scoped3A : memref<!tpu.dma_semaphore, #tpu.memory_space<semaphore_mem>>)
        %dma_wait3A = arith.constant 0 : i32
        %dma_wait3A_35 = tpu.memref_slice %arg11[%multiple_of3A_28, %dma_wait3A] : memref<10000x128xf32, #tpu.memory_space<vmem_shared>> -> memref<624x128xf32, #tpu.memory_space<vmem_shared>>
        tpu.wait_dma2 semaphore(%run_scoped3A : memref<!tpu.dma_semaphore, #tpu.memory_space<semaphore_mem>>) src(%arg5 : memref<624x128xf32, #tpu.memory_space<hbm>>) dst(%dma_wait3A_35 : memref<624x128xf32, #tpu.memory_space<vmem_shared>>)
        tpu.yield
      }) : () -> ()
      %eq3A_29 = arith.constant 0 : i32
      %eq3A_30 = arith.cmpi eq, %arg1, %eq3A_29 : i32
      %convert_element_type3A_31 = arith.extui %eq3A_30 : i1 to i32
      %cond3A_32 = arith.constant 0 : i32
      %cond3A_33 = arith.cmpi ne, %convert_element_type3A_31, %cond3A_32 : i32
      scf.if %cond3A_33 {
        "tpu.region"() ({
          %run_scoped3A = tpu.sem_alloc : memref<!tpu.dma_semaphore, #tpu.memory_space<semaphore_mem>>
          %dma_start3A = arith.constant 9984 : i32
          %dma_start3A_34 = arith.constant 0 : i32
          %dma_start3A_35 = tpu.memref_slice %arg11[%dma_start3A, %dma_start3A_34] : memref<10000x128xf32, #tpu.memory_space<vmem_shared>> -> memref<16x128xf32, #tpu.memory_space<vmem_shared>>
          %dma_start3A_36 = arith.constant 0 : i32
          %dma_start3A_37 = arith.constant 0 : i32
          %dma_start3A_38 = tpu.memref_slice %arg5[%dma_start3A_36, %dma_start3A_37] : memref<624x128xf32, #tpu.memory_space<hbm>> -> memref<16x128xf32, #tpu.memory_space<hbm>>
          tpu.enqueue_dma source(%dma_start3A_38 : memref<16x128xf32, #tpu.memory_space<hbm>>) target(%dma_start3A_35 : memref<16x128xf32, #tpu.memory_space<vmem_shared>>) target_semaphore(%run_scoped3A : memref<!tpu.dma_semaphore, #tpu.memory_space<semaphore_mem>>)
          %dma_wait3A = arith.constant 9984 : i32
          %dma_wait3A_39 = arith.constant 0 : i32
          %dma_wait3A_40 = tpu.memref_slice %arg11[%dma_wait3A, %dma_wait3A_39] : memref<10000x128xf32, #tpu.memory_space<vmem_shared>> -> memref<16x128xf32, #tpu.memory_space<vmem_shared>>
          %dma_wait3A_41 = arith.constant 0 : i32
          %dma_wait3A_42 = arith.constant 0 : i32
          %dma_wait3A_43 = tpu.memref_slice %arg5[%dma_wait3A_41, %dma_wait3A_42] : memref<624x128xf32, #tpu.memory_space<hbm>> -> memref<16x128xf32, #tpu.memory_space<hbm>>
          tpu.wait_dma2 semaphore(%run_scoped3A : memref<!tpu.dma_semaphore, #tpu.memory_space<semaphore_mem>>) src(%dma_wait3A_43 : memref<16x128xf32, #tpu.memory_space<hbm>>) dst(%dma_wait3A_40 : memref<16x128xf32, #tpu.memory_space<vmem_shared>>)
          tpu.yield
        }) : () -> ()
      } else {
      }
    } else {
    }
    %barrier3A = arith.constant 0 : index
    tpu.barrier barrier_id(%barrier3A)
    %scan3A = arith.constant 0 : i32
    %scan3A_7 = arith.constant 0 : i32
    %scan3A_8 = arith.constant 50 : i32
    %scan3A_9 = arith.addi %scan3A_7, %scan3A_8 : i32
    %scan3A_10 = arith.constant 1 : i32
    scf.for %scan3A_26 = %scan3A_7 to %scan3A_9 step %scan3A_10  : i32 {
      "tpu.region"() ({
        %run_scoped3A_54 = tpu.sem_alloc : memref<!tpu.dma_semaphore, #tpu.memory_space<semaphore_mem>>
        %dma_start3A_55 = arith.constant 0 : i32
        %dma_start3A_56 = arith.constant 0 : i32
        %dma_start3A_57 = tpu.memref_slice %arg2[%add3A, %scan3A_26, %dma_start3A_55, %dma_start3A_56] : memref<32x50x2x100xi32, #tpu.memory_space<hbm>> -> memref<1x1x2x100xi32, #tpu.memory_space<hbm>>
        %dma_start3A_58 = tpu.memref_squeeze %dma_start3A_57 : memref<1x1x2x100xi32, #tpu.memory_space<hbm>> -> memref<2x100xi32, #tpu.memory_space<hbm>>
        %dma_start3A_59 = arith.constant 0 : i32
        %dma_start3A_60 = arith.constant 0 : i32
        %dma_start3A_61 = tpu.memref_slice %arg2[%add3A, %scan3A_26, %dma_start3A_59, %dma_start3A_60] : memref<32x50x2x100xi32, #tpu.memory_space<hbm>> -> memref<1x1x2x100xi32, #tpu.memory_space<hbm>>
        %dma_start3A_62 = tpu.memref_squeeze %dma_start3A_61 : memref<1x1x2x100xi32, #tpu.memory_space<hbm>> -> memref<2x100xi32, #tpu.memory_space<hbm>>
        tpu.enqueue_dma source(%dma_start3A_62 : memref<2x100xi32, #tpu.memory_space<hbm>>) target(%arg7 : memref<2x100xi32, #tpu.memory_space<vmem>>) target_semaphore(%run_scoped3A_54 : memref<!tpu.dma_semaphore, #tpu.memory_space<semaphore_mem>>)
        %dma_wait3A_63 = arith.constant 0 : i32
        %dma_wait3A_64 = arith.constant 0 : i32
        %dma_wait3A_65 = tpu.memref_slice %arg2[%add3A, %scan3A_26, %dma_wait3A_63, %dma_wait3A_64] : memref<32x50x2x100xi32, #tpu.memory_space<hbm>> -> memref<1x1x2x100xi32, #tpu.memory_space<hbm>>
        %dma_wait3A_66 = tpu.memref_squeeze %dma_wait3A_65 : memref<1x1x2x100xi32, #tpu.memory_space<hbm>> -> memref<2x100xi32, #tpu.memory_space<hbm>>
        %dma_wait3A_67 = arith.constant 0 : i32
        %dma_wait3A_68 = arith.constant 0 : i32
        %dma_wait3A_69 = tpu.memref_slice %arg2[%add3A, %scan3A_26, %dma_wait3A_67, %dma_wait3A_68] : memref<32x50x2x100xi32, #tpu.memory_space<hbm>> -> memref<1x1x2x100xi32, #tpu.memory_space<hbm>>
        %dma_wait3A_70 = tpu.memref_squeeze %dma_wait3A_69 : memref<1x1x2x100xi32, #tpu.memory_space<hbm>> -> memref<2x100xi32, #tpu.memory_space<hbm>>
        tpu.wait_dma2 semaphore(%run_scoped3A_54 : memref<!tpu.dma_semaphore, #tpu.memory_space<semaphore_mem>>) src(%dma_wait3A_70 : memref<2x100xi32, #tpu.memory_space<hbm>>) dst(%arg7 : memref<2x100xi32, #tpu.memory_space<vmem>>)
        tpu.yield
      }) : () -> ()
      "tpu.region"() ({
        %run_scoped3A_54 = tpu.sem_alloc : memref<!tpu.dma_semaphore, #tpu.memory_space<semaphore_mem>>
        %dma_start3A_55 = arith.constant 0 : i32
        %dma_start3A_56 = arith.constant 0 : i32
        %dma_start3A_57 = tpu.memref_slice %arg3[%add3A, %scan3A_26, %dma_start3A_55, %dma_start3A_56] : memref<32x50x2x100xi32, #tpu.memory_space<hbm>> -> memref<1x1x2x100xi32, #tpu.memory_space<hbm>>
        %dma_start3A_58 = tpu.memref_squeeze %dma_start3A_57 : memref<1x1x2x100xi32, #tpu.memory_space<hbm>> -> memref<2x100xi32, #tpu.memory_space<hbm>>
        %dma_start3A_59 = arith.constant 0 : i32
        %dma_start3A_60 = arith.constant 0 : i32
        %dma_start3A_61 = tpu.memref_slice %arg3[%add3A, %scan3A_26, %dma_start3A_59, %dma_start3A_60] : memref<32x50x2x100xi32, #tpu.memory_space<hbm>> -> memref<1x1x2x100xi32, #tpu.memory_space<hbm>>
        %dma_start3A_62 = tpu.memref_squeeze %dma_start3A_61 : memref<1x1x2x100xi32, #tpu.memory_space<hbm>> -> memref<2x100xi32, #tpu.memory_space<hbm>>
        tpu.enqueue_dma source(%dma_start3A_62 : memref<2x100xi32, #tpu.memory_space<hbm>>) target(%arg8 : memref<2x100xi32, #tpu.memory_space<vmem>>) target_semaphore(%run_scoped3A_54 : memref<!tpu.dma_semaphore, #tpu.memory_space<semaphore_mem>>)
        %dma_wait3A_63 = arith.constant 0 : i32
        %dma_wait3A_64 = arith.constant 0 : i32
        %dma_wait3A_65 = tpu.memref_slice %arg3[%add3A, %scan3A_26, %dma_wait3A_63, %dma_wait3A_64] : memref<32x50x2x100xi32, #tpu.memory_space<hbm>> -> memref<1x1x2x100xi32, #tpu.memory_space<hbm>>
        %dma_wait3A_66 = tpu.memref_squeeze %dma_wait3A_65 : memref<1x1x2x100xi32, #tpu.memory_space<hbm>> -> memref<2x100xi32, #tpu.memory_space<hbm>>
        %dma_wait3A_67 = arith.constant 0 : i32
        %dma_wait3A_68 = arith.constant 0 : i32
        %dma_wait3A_69 = tpu.memref_slice %arg3[%add3A, %scan3A_26, %dma_wait3A_67, %dma_wait3A_68] : memref<32x50x2x100xi32, #tpu.memory_space<hbm>> -> memref<1x1x2x100xi32, #tpu.memory_space<hbm>>
        %dma_wait3A_70 = tpu.memref_squeeze %dma_wait3A_69 : memref<1x1x2x100xi32, #tpu.memory_space<hbm>> -> memref<2x100xi32, #tpu.memory_space<hbm>>
        tpu.wait_dma2 semaphore(%run_scoped3A_54 : memref<!tpu.dma_semaphore, #tpu.memory_space<semaphore_mem>>) src(%dma_wait3A_70 : memref<2x100xi32, #tpu.memory_space<hbm>>) dst(%arg8 : memref<2x100xi32, #tpu.memory_space<vmem>>)
        tpu.yield
      }) : () -> ()
      %dma_start3A = arith.constant 0 : i32
      %dma_start3A_27 = arith.constant 0 : i32
      %dma_start3A_28 = tpu.memref_slice %arg7[%dma_start3A, %dma_start3A_27] : memref<2x100xi32, #tpu.memory_space<vmem>> -> memref<1x100xi32, #tpu.memory_space<vmem>>
      %dma_start3A_29 = tpu.memref_squeeze %dma_start3A_28 : memref<1x100xi32, #tpu.memory_space<vmem>> -> memref<100xi32, #tpu.memory_space<vmem>>
      %dma_start3A_30 = arith.constant 0 : i32
      %dma_start3A_31 = arith.constant 0 : i32
      %dma_start3A_32 = tpu.memref_slice %arg4[%dma_start3A_30, %dma_start3A_31] : memref<10000x128xf32, #tpu.memory_space<hbm>> -> memref<10000x128xf32, #tpu.memory_space<hbm>>
      tpu.enqueue_indirect_dma source(%dma_start3A_32 : memref<10000x128xf32, #tpu.memory_space<hbm>>) target(%arg9 : memref<100x128xf32, #tpu.memory_space<vmem>>) offsets(%dma_start3A_29 : memref<100xi32, #tpu.memory_space<vmem>>) semaphore(%arg12 : memref<!tpu.dma_semaphore, #tpu.memory_space<semaphore_mem>>)
      %dma_wait3A = arith.constant 0 : i32
      %dma_wait3A_33 = arith.constant 0 : i32
      %dma_wait3A_34 = tpu.memref_slice %arg7[%dma_wait3A, %dma_wait3A_33] : memref<2x100xi32, #tpu.memory_space<vmem>> -> memref<1x100xi32, #tpu.memory_space<vmem>>
      %dma_wait3A_35 = tpu.memref_squeeze %dma_wait3A_34 : memref<1x100xi32, #tpu.memory_space<vmem>> -> memref<100xi32, #tpu.memory_space<vmem>>
      %dma_wait3A_36 = arith.constant 0 : i32
      %dma_wait3A_37 = arith.constant 0 : i32
      %dma_wait3A_38 = tpu.memref_slice %arg4[%dma_wait3A_36, %dma_wait3A_37] : memref<10000x128xf32, #tpu.memory_space<hbm>> -> memref<10000x128xf32, #tpu.memory_space<hbm>>
      tpu.wait_indirect_dma semaphore(%arg12 : memref<!tpu.dma_semaphore, #tpu.memory_space<semaphore_mem>>) src(%dma_wait3A_38 : memref<10000x128xf32, #tpu.memory_space<hbm>>) dst(%arg9 : memref<100x128xf32, #tpu.memory_space<vmem>>)
      %dma_start3A_39 = arith.constant 1 : i32
      %dma_start3A_40 = arith.constant 0 : i32
      %dma_start3A_41 = tpu.memref_slice %arg7[%dma_start3A_39, %dma_start3A_40] : memref<2x100xi32, #tpu.memory_space<vmem>> -> memref<1x100xi32, #tpu.memory_space<vmem>>
      %dma_start3A_42 = tpu.memref_squeeze %dma_start3A_41 : memref<1x100xi32, #tpu.memory_space<vmem>> -> memref<100xi32, #tpu.memory_space<vmem>>
      %dma_start3A_43 = arith.constant 0 : i32
      %dma_start3A_44 = arith.constant 0 : i32
      %dma_start3A_45 = tpu.memref_slice %arg4[%dma_start3A_43, %dma_start3A_44] : memref<10000x128xf32, #tpu.memory_space<hbm>> -> memref<10000x128xf32, #tpu.memory_space<hbm>>
      tpu.enqueue_indirect_dma source(%dma_start3A_45 : memref<10000x128xf32, #tpu.memory_space<hbm>>) target(%arg10 : memref<100x128xf32, #tpu.memory_space<vmem>>) offsets(%dma_start3A_42 : memref<100xi32, #tpu.memory_space<vmem>>) semaphore(%arg13 : memref<!tpu.dma_semaphore, #tpu.memory_space<semaphore_mem>>)
      %run_scoped3A = arith.constant 0 : i32
      "tpu.region"() ({
        %run_scoped3A_54 = tpu.sem_alloc : memref<!tpu.dma_semaphore, #tpu.memory_space<semaphore_mem>>
        %dma_start3A_55 = arith.constant 0 : i32
        %dma_start3A_56 = tpu.memref_slice %arg8[%run_scoped3A, %dma_start3A_55] : memref<2x100xi32, #tpu.memory_space<vmem>> -> memref<1x100xi32, #tpu.memory_space<vmem>>
        %dma_start3A_57 = tpu.memref_squeeze %dma_start3A_56 : memref<1x100xi32, #tpu.memory_space<vmem>> -> memref<100xi32, #tpu.memory_space<vmem>>
        %dma_start3A_58 = arith.constant 0 : i32
        %dma_start3A_59 = arith.constant 0 : i32
        %dma_start3A_60 = tpu.memref_slice %arg11[%dma_start3A_58, %dma_start3A_59] : memref<10000x128xf32, #tpu.memory_space<vmem_shared>> -> memref<10000x128xf32, #tpu.memory_space<vmem_shared>>
        tpu.enqueue_indirect_dma source(%arg9 : memref<100x128xf32, #tpu.memory_space<vmem>>) target(%dma_start3A_60 : memref<10000x128xf32, #tpu.memory_space<vmem_shared>>) offsets(%dma_start3A_57 : memref<100xi32, #tpu.memory_space<vmem>>) semaphore(%run_scoped3A_54 : memref<!tpu.dma_semaphore, #tpu.memory_space<semaphore_mem>>) {add = true}
        %dma_wait3A_61 = arith.constant 0 : i32
        %dma_wait3A_62 = tpu.memref_slice %arg8[%run_scoped3A, %dma_wait3A_61] : memref<2x100xi32, #tpu.memory_space<vmem>> -> memref<1x100xi32, #tpu.memory_space<vmem>>
        %dma_wait3A_63 = tpu.memref_squeeze %dma_wait3A_62 : memref<1x100xi32, #tpu.memory_space<vmem>> -> memref<100xi32, #tpu.memory_space<vmem>>
        %dma_wait3A_64 = arith.constant 0 : i32
        %dma_wait3A_65 = arith.constant 0 : i32
        %dma_wait3A_66 = tpu.memref_slice %arg11[%dma_wait3A_64, %dma_wait3A_65] : memref<10000x128xf32, #tpu.memory_space<vmem_shared>> -> memref<10000x128xf32, #tpu.memory_space<vmem_shared>>
        tpu.wait_indirect_dma semaphore(%run_scoped3A_54 : memref<!tpu.dma_semaphore, #tpu.memory_space<semaphore_mem>>) src(%arg9 : memref<100x128xf32, #tpu.memory_space<vmem>>) dst(%dma_wait3A_66 : memref<10000x128xf32, #tpu.memory_space<vmem_shared>>)
        tpu.yield
      }) : () -> ()
      %dma_wait3A_46 = arith.constant 1 : i32
      %dma_wait3A_47 = arith.constant 0 : i32
      %dma_wait3A_48 = tpu.memref_slice %arg7[%dma_wait3A_46, %dma_wait3A_47] : memref<2x100xi32, #tpu.memory_space<vmem>> -> memref<1x100xi32, #tpu.memory_space<vmem>>
      %dma_wait3A_49 = tpu.memref_squeeze %dma_wait3A_48 : memref<1x100xi32, #tpu.memory_space<vmem>> -> memref<100xi32, #tpu.memory_space<vmem>>
      %dma_wait3A_50 = arith.constant 0 : i32
      %dma_wait3A_51 = arith.constant 0 : i32
      %dma_wait3A_52 = tpu.memref_slice %arg4[%dma_wait3A_50, %dma_wait3A_51] : memref<10000x128xf32, #tpu.memory_space<hbm>> -> memref<10000x128xf32, #tpu.memory_space<hbm>>
      tpu.wait_indirect_dma semaphore(%arg13 : memref<!tpu.dma_semaphore, #tpu.memory_space<semaphore_mem>>) src(%dma_wait3A_52 : memref<10000x128xf32, #tpu.memory_space<hbm>>) dst(%arg10 : memref<100x128xf32, #tpu.memory_space<vmem>>)
      %run_scoped3A_53 = arith.constant 1 : i32
      "tpu.region"() ({
        %run_scoped3A_54 = tpu.sem_alloc : memref<!tpu.dma_semaphore, #tpu.memory_space<semaphore_mem>>
        %dma_start3A_55 = arith.constant 0 : i32
        %dma_start3A_56 = tpu.memref_slice %arg8[%run_scoped3A_53, %dma_start3A_55] : memref<2x100xi32, #tpu.memory_space<vmem>> -> memref<1x100xi32, #tpu.memory_space<vmem>>
        %dma_start3A_57 = tpu.memref_squeeze %dma_start3A_56 : memref<1x100xi32, #tpu.memory_space<vmem>> -> memref<100xi32, #tpu.memory_space<vmem>>
        %dma_start3A_58 = arith.constant 0 : i32
        %dma_start3A_59 = arith.constant 0 : i32
        %dma_start3A_60 = tpu.memref_slice %arg11[%dma_start3A_58, %dma_start3A_59] : memref<10000x128xf32, #tpu.memory_space<vmem_shared>> -> memref<10000x128xf32, #tpu.memory_space<vmem_shared>>
        tpu.enqueue_indirect_dma source(%arg10 : memref<100x128xf32, #tpu.memory_space<vmem>>) target(%dma_start3A_60 : memref<10000x128xf32, #tpu.memory_space<vmem_shared>>) offsets(%dma_start3A_57 : memref<100xi32, #tpu.memory_space<vmem>>) semaphore(%run_scoped3A_54 : memref<!tpu.dma_semaphore, #tpu.memory_space<semaphore_mem>>) {add = true}
        %dma_wait3A_61 = arith.constant 0 : i32
        %dma_wait3A_62 = tpu.memref_slice %arg8[%run_scoped3A_53, %dma_wait3A_61] : memref<2x100xi32, #tpu.memory_space<vmem>> -> memref<1x100xi32, #tpu.memory_space<vmem>>
        %dma_wait3A_63 = tpu.memref_squeeze %dma_wait3A_62 : memref<1x100xi32, #tpu.memory_space<vmem>> -> memref<100xi32, #tpu.memory_space<vmem>>
        %dma_wait3A_64 = arith.constant 0 : i32
        %dma_wait3A_65 = arith.constant 0 : i32
        %dma_wait3A_66 = tpu.memref_slice %arg11[%dma_wait3A_64, %dma_wait3A_65] : memref<10000x128xf32, #tpu.memory_space<vmem_shared>> -> memref<10000x128xf32, #tpu.memory_space<vmem_shared>>
        tpu.wait_indirect_dma semaphore(%run_scoped3A_54 : memref<!tpu.dma_semaphore, #tpu.memory_space<semaphore_mem>>) src(%arg10 : memref<100x128xf32, #tpu.memory_space<vmem>>) dst(%dma_wait3A_66 : memref<10000x128xf32, #tpu.memory_space<vmem_shared>>)
        tpu.yield
      }) : () -> ()
    }
    %scan3A_11 = arith.constant 50 : i32
    %barrier3A_12 = arith.constant 0 : index
    tpu.barrier barrier_id(%barrier3A_12)
    %mul3A_13 = arith.constant 624 : i32
    %mul3A_14 = arith.muli %arg1, %mul3A_13 : i32
    %multiple_of3A = tpu.assume_multiple %mul3A_14, 8 : i32
    %mul3A_15 = arith.constant 10000 : i32
    %mul3A_16 = arith.muli %arg0, %mul3A_15 : i32
    %mul3A_17 = arith.constant 624 : i32
    %mul3A_18 = arith.muli %arg1, %mul3A_17 : i32
    %add3A_19 = arith.addi %mul3A_16, %mul3A_18 : i32
    %multiple_of3A_20 = tpu.assume_multiple %add3A_19, 8 : i32
    "tpu.region"() ({
      %run_scoped3A = tpu.sem_alloc : memref<!tpu.dma_semaphore, #tpu.memory_space<semaphore_mem>>
      %dma_start3A = arith.constant 0 : i32
      %dma_start3A_26 = tpu.memref_slice %arg6[%multiple_of3A_20, %dma_start3A] : memref<20000x128xf32, #tpu.memory_space<hbm>> -> memref<624x128xf32, #tpu.memory_space<hbm>>
      %dma_start3A_27 = arith.constant 0 : i32
      %dma_start3A_28 = tpu.memref_slice %arg11[%multiple_of3A, %dma_start3A_27] : memref<10000x128xf32, #tpu.memory_space<vmem_shared>> -> memref<624x128xf32, #tpu.memory_space<vmem_shared>>
      tpu.enqueue_dma source(%dma_start3A_28 : memref<624x128xf32, #tpu.memory_space<vmem_shared>>) target(%dma_start3A_26 : memref<624x128xf32, #tpu.memory_space<hbm>>) target_semaphore(%run_scoped3A : memref<!tpu.dma_semaphore, #tpu.memory_space<semaphore_mem>>)
      %dma_wait3A = arith.constant 0 : i32
      %dma_wait3A_29 = tpu.memref_slice %arg6[%multiple_of3A_20, %dma_wait3A] : memref<20000x128xf32, #tpu.memory_space<hbm>> -> memref<624x128xf32, #tpu.memory_space<hbm>>
      %dma_wait3A_30 = arith.constant 0 : i32
      %dma_wait3A_31 = tpu.memref_slice %arg11[%multiple_of3A, %dma_wait3A_30] : memref<10000x128xf32, #tpu.memory_space<vmem_shared>> -> memref<624x128xf32, #tpu.memory_space<vmem_shared>>
      tpu.wait_dma2 semaphore(%run_scoped3A : memref<!tpu.dma_semaphore, #tpu.memory_space<semaphore_mem>>) src(%dma_wait3A_31 : memref<624x128xf32, #tpu.memory_space<vmem_shared>>) dst(%dma_wait3A_29 : memref<624x128xf32, #tpu.memory_space<hbm>>)
      tpu.yield
    }) : () -> ()
    %eq3A_21 = arith.constant 0 : i32
    %eq3A_22 = arith.cmpi eq, %arg1, %eq3A_21 : i32
    %convert_element_type3A_23 = arith.extui %eq3A_22 : i1 to i32
    %cond3A_24 = arith.constant 0 : i32
    %cond3A_25 = arith.cmpi ne, %convert_element_type3A_23, %cond3A_24 : i32
    scf.if %cond3A_25 {
      %mul3A_26 = arith.constant 10000 : i32
      %mul3A_27 = arith.muli %arg0, %mul3A_26 : i32
      %add3A_28 = arith.constant 9984 : i32
      %add3A_29 = arith.addi %mul3A_27, %add3A_28 : i32
      %multiple_of3A_30 = tpu.assume_multiple %add3A_29, 8 : i32
      "tpu.region"() ({
        %run_scoped3A = tpu.sem_alloc : memref<!tpu.dma_semaphore, #tpu.memory_space<semaphore_mem>>
        %dma_start3A = arith.constant 0 : i32
        %dma_start3A_31 = tpu.memref_slice %arg6[%multiple_of3A_30, %dma_start3A] : memref<20000x128xf32, #tpu.memory_space<hbm>> -> memref<16x128xf32, #tpu.memory_space<hbm>>
        %dma_start3A_32 = arith.constant 9984 : i32
        %dma_start3A_33 = arith.constant 0 : i32
        %dma_start3A_34 = tpu.memref_slice %arg11[%dma_start3A_32, %dma_start3A_33] : memref<10000x128xf32, #tpu.memory_space<vmem_shared>> -> memref<16x128xf32, #tpu.memory_space<vmem_shared>>
        tpu.enqueue_dma source(%dma_start3A_34 : memref<16x128xf32, #tpu.memory_space<vmem_shared>>) target(%dma_start3A_31 : memref<16x128xf32, #tpu.memory_space<hbm>>) target_semaphore(%run_scoped3A : memref<!tpu.dma_semaphore, #tpu.memory_space<semaphore_mem>>)
        %dma_wait3A = arith.constant 0 : i32
        %dma_wait3A_35 = tpu.memref_slice %arg6[%multiple_of3A_30, %dma_wait3A] : memref<20000x128xf32, #tpu.memory_space<hbm>> -> memref<16x128xf32, #tpu.memory_space<hbm>>
        %dma_wait3A_36 = arith.constant 9984 : i32
        %dma_wait3A_37 = arith.constant 0 : i32
        %dma_wait3A_38 = tpu.memref_slice %arg11[%dma_wait3A_36, %dma_wait3A_37] : memref<10000x128xf32, #tpu.memory_space<vmem_shared>> -> memref<16x128xf32, #tpu.memory_space<vmem_shared>>
        tpu.wait_dma2 semaphore(%run_scoped3A : memref<!tpu.dma_semaphore, #tpu.memory_space<semaphore_mem>>) src(%dma_wait3A_38 : memref<16x128xf32, #tpu.memory_space<vmem_shared>>) dst(%dma_wait3A_35 : memref<16x128xf32, #tpu.memory_space<hbm>>)
        tpu.yield
      }) : () -> ()
    } else {
    }
    return
  }
}

module attributes {stable_mosaic.version = 14 : i64} {
  func.func @_pre_body(%arg0: i32, %arg1: memref<1000x128xf32, #tpu.memory_space<vmem>>, %arg2: memref<128x128xf32, #tpu.memory_space<vmem>>, %arg3: memref<1000x128xf32, #tpu.memory_space<vmem>>, %arg4: memref<1000x128xf32, #tpu.memory_space<vmem>>, %arg5: memref<1000x128xf32, #tpu.memory_space<vmem>>) attributes {dimension_semantics = [#tpu.dimension_semantics<arbitrary>], iteration_bounds = array<i64: 10>, scalar_prefetch = 0 : i64, scratch_operands = 0 : i64, tpu.core_type = #tpu.core_type<tc>, window_params = [{transform_indices = @transform_0, window_bounds = array<i64: 1000, 128>}, {pipeline_mode = #tpu.pipeline_mode<synchronous>, transform_indices = @transform_1, window_bounds = array<i64: 128, 128>}, {transform_indices = @transform_2, window_bounds = array<i64: 1000, 128>}, {transform_indices = @transform_3, window_bounds = array<i64: 1000, 128>}, {transform_indices = @transform_4, window_bounds = array<i64: 1000, 128>}]} {
    %get3A = arith.constant 0 : index
    %get3A_0 = arith.constant 0 : index
    %get3A_1 = vector.load %arg3[%get3A, %get3A_0] : memref<1000x128xf32, #tpu.memory_space<vmem>>, vector<1000x128xf32>
    %get3A_2 = arith.constant 0 : index
    %get3A_3 = arith.constant 0 : index
    %get3A_4 = vector.load %arg4[%get3A_2, %get3A_3] : memref<1000x128xf32, #tpu.memory_space<vmem>>, vector<1000x128xf32>
    %slice3A = vector.extract_strided_slice %get3A_1 {offsets = [0, 0], sizes = [1000, 1], strides = [1, 1]} : vector<1000x128xf32> to vector<1000x1xf32>
    %slice3A_5 = vector.extract_strided_slice %get3A_4 {offsets = [0, 0], sizes = [1000, 1], strides = [1, 1]} : vector<1000x128xf32> to vector<1000x1xf32>
    %add3A = arith.addf %slice3A, %slice3A_5 : vector<1000x1xf32>
    %rsqrt3A = math.rsqrt %add3A : vector<1000x1xf32>
    %get3A_6 = arith.constant 0 : index
    %get3A_7 = arith.constant 0 : index
    %get3A_8 = vector.load %arg1[%get3A_6, %get3A_7] : memref<1000x128xf32, #tpu.memory_space<vmem>>, vector<1000x128xf32>
    %get3A_9 = arith.constant 0 : index
    %get3A_10 = arith.constant 0 : index
    %get3A_11 = vector.load %arg2[%get3A_9, %get3A_10] : memref<128x128xf32, #tpu.memory_space<vmem>>, vector<128x128xf32>
    %dot_general3A = arith.constant dense<0.000000e+00> : vector<1000x128xf32>
    %dot_general3A_12 = tpu.matmul %get3A_8, %get3A_11, %dot_general3A {dimension_numbers = #tpu.dot_dimension_numbers<[1], [0], [0], [1], [0, 0, 1, 1], [], []>, transpose_lhs_hint = false} : vector<1000x128xf32>, vector<128x128xf32>, vector<1000x128xf32> -> vector<1000x128xf32>
    %mul3A = vector.broadcast %rsqrt3A : vector<1000x1xf32> to vector<1000x128xf32>
    %mul3A_13 = arith.mulf %mul3A, %dot_general3A_12 : vector<1000x128xf32>
    %swap3A = arith.constant 0 : index
    %swap3A_14 = arith.constant 0 : index
    %swap3A_15 = vector.load %arg5[%swap3A, %swap3A_14] : memref<1000x128xf32, #tpu.memory_space<vmem>>, vector<1000x128xf32>
    tpu.vector_store %arg5[%swap3A, %swap3A_14], %mul3A_13 {strides = array<i32>} : memref<1000x128xf32, #tpu.memory_space<vmem>>, vector<1000x128xf32>,
    return
  }
  func.func @transform_0(%arg0: i32) -> (i32, i32) {
    %c0_i32 = arith.constant 0 : i32
    %c0_i32_0 = arith.constant 0 : i32
    return %arg0, %c0_i32 : i32, i32
  }
  func.func @transform_1(%arg0: i32) -> (i32, i32) {
    %c0_i32 = arith.constant 0 : i32
    %c0_i32_0 = arith.constant 0 : i32
    %c0_i32_1 = arith.constant 0 : i32
    return %c0_i32, %c0_i32_0 : i32, i32
  }
  func.func @transform_2(%arg0: i32) -> (i32, i32) {
    %c0_i32 = arith.constant 0 : i32
    %c0_i32_0 = arith.constant 0 : i32
    return %arg0, %c0_i32 : i32, i32
  }
  func.func @transform_3(%arg0: i32) -> (i32, i32) {
    %add3A = arith.constant 10 : i32
    %add3A_0 = arith.addi %arg0, %add3A : i32
    %c0_i32 = arith.constant 0 : i32
    %c0_i32_1 = arith.constant 0 : i32
    return %add3A_0, %c0_i32 : i32, i32
  }
  func.func @transform_4(%arg0: i32) -> (i32, i32) {
    %c0_i32 = arith.constant 0 : i32
    %c0_i32_0 = arith.constant 0 : i32
    return %arg0, %c0_i32 : i32, i32
  }
}

module attributes {stable_mosaic.version = 14 : i64} {
  func.func @_post_body(%arg0: i32, %arg1: memref<1000x128xf32, #tpu.memory_space<vmem>>, %arg2: memref<1000x128xf32, #tpu.memory_space<vmem>>, %arg3: memref<1000x128xf32, #tpu.memory_space<vmem>>, %arg4: memref<1000x128xf32, #tpu.memory_space<vmem>>, %arg5: memref<1x128xf32, #tpu.memory_space<vmem>>, %arg6: memref<1x128xf32, #tpu.memory_space<vmem>>, %arg7: memref<1000x128xf32, #tpu.memory_space<vmem>>, %arg8: memref<128x128xf32, #tpu.memory_space<vmem>>, %arg9: memref<1000x128xf32, #tpu.memory_space<vmem>>, %arg10: memref<1000x128xf32, #tpu.memory_space<vmem>>) attributes {dimension_semantics = [#tpu.dimension_semantics<arbitrary>], iteration_bounds = array<i64: 10>, scalar_prefetch = 0 : i64, scratch_operands = 0 : i64, tpu.core_type = #tpu.core_type<tc>, window_params = [{transform_indices = @transform_0, window_bounds = array<i64: 1000, 128>}, {transform_indices = @transform_1, window_bounds = array<i64: 1000, 128>}, {transform_indices = @transform_2, window_bounds = array<i64: 1000, 128>}, {transform_indices = @transform_3, window_bounds = array<i64: 1000, 128>}, {pipeline_mode = #tpu.pipeline_mode<synchronous>, transform_indices = @transform_4, window_bounds = array<i64: 1, 128>}, {pipeline_mode = #tpu.pipeline_mode<synchronous>, transform_indices = @transform_5, window_bounds = array<i64: 1, 128>}, {transform_indices = @transform_6, window_bounds = array<i64: 1000, 128>}, {pipeline_mode = #tpu.pipeline_mode<synchronous>, transform_indices = @transform_7, window_bounds = array<i64: 128, 128>}, {transform_indices = @transform_8, window_bounds = array<i64: 1000, 128>}, {transform_indices = @transform_9, window_bounds = array<i64: 1000, 128>}]} {
    %get3A = arith.constant 0 : index
    %get3A_0 = arith.constant 0 : index
    %get3A_1 = vector.load %arg3[%get3A, %get3A_0] : memref<1000x128xf32, #tpu.memory_space<vmem>>, vector<1000x128xf32>
    %get3A_2 = arith.constant 0 : index
    %get3A_3 = arith.constant 0 : index
    %get3A_4 = vector.load %arg4[%get3A_2, %get3A_3] : memref<1000x128xf32, #tpu.memory_space<vmem>>, vector<1000x128xf32>
    %slice3A = vector.extract_strided_slice %get3A_1 {offsets = [0, 0], sizes = [1000, 1], strides = [1, 1]} : vector<1000x128xf32> to vector<1000x1xf32>
    %slice3A_5 = vector.extract_strided_slice %get3A_4 {offsets = [0, 0], sizes = [1000, 1], strides = [1, 1]} : vector<1000x128xf32> to vector<1000x1xf32>
    %add3A = arith.addf %slice3A, %slice3A_5 : vector<1000x1xf32>
    %rsqrt3A = math.rsqrt %add3A : vector<1000x1xf32>
    %get3A_6 = arith.constant 0 : index
    %get3A_7 = arith.constant 0 : index
    %get3A_8 = vector.load %arg1[%get3A_6, %get3A_7] : memref<1000x128xf32, #tpu.memory_space<vmem>>, vector<1000x128xf32>
    %get3A_9 = arith.constant 0 : index
    %get3A_10 = arith.constant 0 : index
    %get3A_11 = vector.load %arg2[%get3A_9, %get3A_10] : memref<1000x128xf32, #tpu.memory_space<vmem>>, vector<1000x128xf32>
    %add3A_12 = arith.addf %get3A_8, %get3A_11 : vector<1000x128xf32>
    %mul3A = vector.broadcast %rsqrt3A : vector<1000x1xf32> to vector<1000x128xf32>
    %mul3A_13 = arith.mulf %mul3A, %add3A_12 : vector<1000x128xf32>
    %get3A_14 = arith.constant 0 : index
    %get3A_15 = arith.constant 0 : index
    %get3A_16 = vector.load %arg5[%get3A_14, %get3A_15] : memref<1x128xf32, #tpu.memory_space<vmem>>, vector<1x128xf32>
    %add3A_17 = vector.broadcast %get3A_16 : vector<1x128xf32> to vector<1000x128xf32>
    %add3A_18 = arith.addf %mul3A_13, %add3A_17 : vector<1000x128xf32>
    %get3A_19 = arith.constant 0 : index
    %get3A_20 = arith.constant 0 : index
    %get3A_21 = vector.load %arg6[%get3A_19, %get3A_20] : memref<1x128xf32, #tpu.memory_space<vmem>>, vector<1x128xf32>
    %gt3A = arith.constant 0.000000e+00 : f32
    %gt3A_22 = vector.broadcast %gt3A : f32 to vector<1x128xf32>
    %gt3A_23 = arith.cmpf ogt, %get3A_21, %gt3A_22 : vector<1x128xf32>
    %max3A = arith.constant 0.000000e+00 : f32
    %max3A_24 = vector.broadcast %max3A : f32 to vector<1000x128xf32>
    %max3A_25 = arith.maximumf %add3A_18, %max3A_24 : vector<1000x128xf32>
    %get3A_26 = arith.constant 0 : index
    %get3A_27 = arith.constant 0 : index
    %get3A_28 = vector.load %arg7[%get3A_26, %get3A_27] : memref<1000x128xf32, #tpu.memory_space<vmem>>, vector<1000x128xf32>
    %add3A_29 = arith.addf %max3A_25, %get3A_28 : vector<1000x128xf32>
    %broadcast_in_dim3A = vector.shape_cast %gt3A_23 : vector<1x128xi1> to vector<1x128xi1>
    %broadcast_in_dim3A_30 = vector.broadcast %broadcast_in_dim3A : vector<1x128xi1> to vector<1000x128xi1>
    %select_n3A = arith.select %broadcast_in_dim3A_30, %add3A_29, %add3A_18 : vector<1000x128xi1>, vector<1000x128xf32>
    %swap3A = arith.constant 0 : index
    %swap3A_31 = arith.constant 0 : index
    %swap3A_32 = vector.load %arg9[%swap3A, %swap3A_31] : memref<1000x128xf32, #tpu.memory_space<vmem>>, vector<1000x128xf32>
    tpu.vector_store %arg9[%swap3A, %swap3A_31], %select_n3A {strides = array<i32>} : memref<1000x128xf32, #tpu.memory_space<vmem>>, vector<1000x128xf32>,
    %get3A_33 = arith.constant 0 : index
    %get3A_34 = arith.constant 0 : index
    %get3A_35 = vector.load %arg8[%get3A_33, %get3A_34] : memref<128x128xf32, #tpu.memory_space<vmem>>, vector<128x128xf32>
    %dot_general3A = arith.constant dense<0.000000e+00> : vector<1000x128xf32>
    %dot_general3A_36 = tpu.matmul %select_n3A, %get3A_35, %dot_general3A {dimension_numbers = #tpu.dot_dimension_numbers<[1], [0], [0], [1], [0, 0, 1, 1], [], []>, transpose_lhs_hint = false} : vector<1000x128xf32>, vector<128x128xf32>, vector<1000x128xf32> -> vector<1000x128xf32>
    %mul3A_37 = vector.broadcast %rsqrt3A : vector<1000x1xf32> to vector<1000x128xf32>
    %mul3A_38 = arith.mulf %mul3A_37, %dot_general3A_36 : vector<1000x128xf32>
    %swap3A_39 = arith.constant 0 : index
    %swap3A_40 = arith.constant 0 : index
    %swap3A_41 = vector.load %arg10[%swap3A_39, %swap3A_40] : memref<1000x128xf32, #tpu.memory_space<vmem>>, vector<1000x128xf32>
    tpu.vector_store %arg10[%swap3A_39, %swap3A_40], %mul3A_38 {strides = array<i32>} : memref<1000x128xf32, #tpu.memory_space<vmem>>, vector<1000x128xf32>,
    return
  }
  func.func @transform_0(%arg0: i32) -> (i32, i32) {
    %c0_i32 = arith.constant 0 : i32
    %c0_i32_0 = arith.constant 0 : i32
    return %arg0, %c0_i32 : i32, i32
  }
  func.func @transform_1(%arg0: i32) -> (i32, i32) {
    %add3A = arith.constant 10 : i32
    %add3A_0 = arith.addi %arg0, %add3A : i32
    %c0_i32 = arith.constant 0 : i32
    %c0_i32_1 = arith.constant 0 : i32
    return %add3A_0, %c0_i32 : i32, i32
  }
  func.func @transform_2(%arg0: i32) -> (i32, i32) {
    %c0_i32 = arith.constant 0 : i32
    %c0_i32_0 = arith.constant 0 : i32
    return %arg0, %c0_i32 : i32, i32
  }
  func.func @transform_3(%arg0: i32) -> (i32, i32) {
    %add3A = arith.constant 10 : i32
    %add3A_0 = arith.addi %arg0, %add3A : i32
    %c0_i32 = arith.constant 0 : i32
    %c0_i32_1 = arith.constant 0 : i32
    return %add3A_0, %c0_i32 : i32, i32
  }
  func.func @transform_4(%arg0: i32) -> (i32, i32) {
    %c0_i32 = arith.constant 0 : i32
    %c0_i32_0 = arith.constant 0 : i32
    %c0_i32_1 = arith.constant 0 : i32
    return %c0_i32, %c0_i32_0 : i32, i32
  }
  func.func @transform_5(%arg0: i32) -> (i32, i32) {
    %c0_i32 = arith.constant 0 : i32
    %c0_i32_0 = arith.constant 0 : i32
    %c0_i32_1 = arith.constant 0 : i32
    return %c0_i32, %c0_i32_0 : i32, i32
  }
  func.func @transform_6(%arg0: i32) -> (i32, i32) {
    %c0_i32 = arith.constant 0 : i32
    %c0_i32_0 = arith.constant 0 : i32
    return %arg0, %c0_i32 : i32, i32
  }
  func.func @transform_7(%arg0: i32) -> (i32, i32) {
    %c0_i32 = arith.constant 0 : i32
    %c0_i32_0 = arith.constant 0 : i32
    %c0_i32_1 = arith.constant 0 : i32
    return %c0_i32, %c0_i32_0 : i32, i32
  }
  func.func @transform_8(%arg0: i32) -> (i32, i32) {
    %c0_i32 = arith.constant 0 : i32
    %c0_i32_0 = arith.constant 0 : i32
    return %arg0, %c0_i32 : i32, i32
  }
  func.func @transform_9(%arg0: i32) -> (i32, i32) {
    %c0_i32 = arith.constant 0 : i32
    %c0_i32_0 = arith.constant 0 : i32
    return %arg0, %c0_i32 : i32, i32
  }
}

</mosaic_0001>

<sc_bundles>
// kernel: closed_call.21.cloned.1.call-start
scs
__scs_entry_jumppad:
0x0: {  	(pc) =	sbr.rel $0x88, $3  }
0x1: {  	(tag) =	ssettag $0x0;
	lr =	simm.s32 $0x1  }
0x2: {  	[smem:$0x3F99] =	sst lr;
	_ =	strace $0xD0000000  }
0x3: {  	_ = 	snop  }
0x4: {  	_ = 	snop  }
0x5: {  	_ = 	snop  }
0x6: {  	_ = 	snop  }
0x7: {  	_ = 	snop  }
__scs_overlays_trampoline_lowered:
0x8: {  	[smem:$0x3FA8] =	sst s0  }
0x9: {  	[smem:$0x3FA9] =	sst s1  }
0xa: {  	[smem:$0x3FAA] =	sst s2  }
0xb: {  	[smem:$0x3FAB] =	sst s3  }
0xc: {  	[smem:$0x3FAC] =	sst s4  }
0xd: {  	[smem:$0x3FAD] =	sst s5  }
0xe: {  	[smem:$0x3FAE] =	sst s6  }
0xf: {  	[smem:$0x3FAF] =	sst s7  }
0x10: {  	[smem:$0x3FB0] =	sst s8  }
0x11: {  	[smem:$0x3FB1] =	sst s9;
	s0 =	simm.s32 @!p0 $0x0  }
0x12: {  	s1 =	sld [smem:$0x3F97];
	s0 =	simm.s32 @p0 $0x1  }
0x13: {  	[smem:$0x3FB2] =	sst s0;
	s0 =	simm.s32 @!p1 $0x0  }
0x14: {  	s2 =	sld [smem:$0x3F96];
	s0 =	simm.s32 @p1 $0x1  }
0x15: {  	[smem:$0x3FB3] =	sst s0;
	s0 =	simm.s32 @!p2 $0x0  }
0x16: {  	s3 =	sld [smem:$0x3FDB];
	s0 =	simm.s32 @p2 $0x1  }
0x17: {  	s4 =	simm.s32 $0x1BF5;
	[smem:$0x3FB5] =	sst s0  }
0x18: {  	s0 =	sld [smem:$0x3F98];
	_ =	swait.ge [sflag:s4], $0x0  }
0x19: {  	s7 =	sld [smem:$0x3F99]  }
0x1a: {  	s8 =	sadd.s32 $0xFFFFE003, lr  }
0x1b: {  	s9 =	sadd.s32 $0xFFFFFEF7, lr;
	s5 =	simm.s32 $0xFFFFFFFF;
	p2 =	slt.u32 s8, $0xFFFFF086  }
0x1c: {  	p1 =	slt.u32 s9, $0xF7A;
	s5 =	simm.s32 @!p2 $0x0  }
0x1d: {  	s5 =	simm.s32 @p1 $0x1;
	p0 =	seq.s32 s7, s2  }
0x1e: {  	s7 =	smul.u32 @!p0 $0xF7A, s2;
	p2 =	seq.s32 @!p0 s5, $0x0  }
0x1f: {  	s9 =	smul.u32 $0xF7A, s1;
	s8 =	simm.s32 @!p0 $0x1BF5;
	p2 =	por !p2, p0  }
0x20: {  	[sflag:s8] =	ssyncset.s32 @!p0 $0xFFFFF086;
	s6 =	sadd.s32 @!p0 s3, s7;
	s7 =	simm.s32 @!p0 $0x108  }
0x21: {  	s3 =	sadd.s32 s3, s9;
	s6 =	sadd.s32 @!p0 $0x88, s6;
	s7 =	simm.s32 @p2 $0x1082  }
0x22: {  	[simem:s7], [sflag:s8] =	dma.local @!p0 [hbm:s6], $0xF7A  }
0x23: {  	s9 =	sor.u32 $0xD0000000, s2;
	s6 =	simm.s32 $0x108;
	_ =	swait.ge @!p0 [sflag:s8], $0x0  }
0x24: {  	s3 =	sadd.s32 $0x88, s3;
	s6 =	simm.s32 @!p1 $0x1082;
	[sflag:s4] =	ssyncset.s32 $0xFFFFF086  }
0x25: {  	[simem:s6], [sflag:s4] =	dma.local [hbm:s3], $0xF7A  }
0x26: {  	[smem:$0x3F99] =	sst s1;
	(tag) =	ssettag s2;
	_ =	strace s9  }
0x27: {  	s1 =	sld [smem:$0x3FA9]  }
0x28: {  	s2 =	sld [smem:$0x3FAA]  }
0x29: {  	s4 =	sld [smem:$0x3FAC]  }
0x2a: {  	p0 =	seq.s32 s5, $0x0;
	s5 =	sld [smem:$0x3FAD]  }
0x2b: {  	s6 =	sld [smem:$0x3FAE]  }
0x2c: {  	s7 =	sld [smem:$0x3FAF]  }
0x2d: {  	s3 =	simm.s32 $0x108;
	s8 =	sld [smem:$0x3FB0]  }
0x2e: {  	s3 =	simm.s32 @!p0 $0x1082;
	s9 =	sld [smem:$0x3FB1]  }
0x2f: {  	lr =	sadd.s32 s0, s3;
	s0 =	sld [smem:$0x3FA8]  }
0x30: {  	s3 =	sld [smem:$0x3FAB]  }
0x31: {  	[smem:$0x3FB4] =	sst s10  }
0x32: {  	s10 =	sld [smem:$0x3FB2];
	_ =	sdelay $0x3  }
0x33: {  	p0 =	seq.s32 s10, $0x1;
	s10 =	sld [smem:$0x3FB4];
	_ =	sdelay $0x3  }
0x34: {  	[smem:$0x3FB4] =	sst s10  }
0x35: {  	s10 =	sld [smem:$0x3FB3];
	_ =	sdelay $0x3  }
0x36: {  	p1 =	seq.s32 s10, $0x1;
	s10 =	sld [smem:$0x3FB4];
	_ =	sdelay $0x3  }
0x37: {  	[smem:$0x3FB4] =	sst s10  }
0x38: {  	s10 =	sld [smem:$0x3FB5]  }
0x39: {  	_ = 	snop;
	(pc) =	sbr.ind lr, $3  }
0x3a: {  	_ = 	snop  }
0x3b: {  	_ = 	snop  }
0x3c: {  	p2 =	seq.s32 s10, $0x1;
	s10 =	sld [smem:$0x3FB4]  }
0x3d: {  	_ =	shalt  }
0x3e: {  	_ =	shalt  }
0x3f: {  	_ =	shalt  }
0x40: {  	_ =	shalt  }
0x41: {  	_ =	shalt  }
0x42: {  	_ =	shalt  }
0x43: {  	_ =	shalt  }
0x44: {  	_ =	shalt  }
0x45: {  	_ =	shalt  }
0x46: {  	_ =	shalt  }
0x47: {  	_ =	shalt  }
0x48: {  	_ =	shalt  }
0x49: {  	_ =	shalt  }
0x4a: {  	_ =	shalt  }
0x4b: {  	_ =	shalt  }
0x4c: {  	_ =	shalt  }
0x4d: {  	_ =	shalt  }
0x4e: {  	_ =	shalt  }
0x4f: {  	_ =	shalt  }
0x50: {  	_ =	shalt  }
0x51: {  	_ =	shalt  }
0x52: {  	_ =	shalt  }
0x53: {  	_ =	shalt  }
0x54: {  	_ =	shalt  }
0x55: {  	_ =	shalt  }
0x56: {  	_ =	shalt  }
0x57: {  	_ =	shalt  }
0x58: {  	_ =	shalt  }
0x59: {  	_ =	shalt  }
0x5a: {  	_ =	shalt  }
0x5b: {  	_ =	shalt  }
0x5c: {  	_ =	shalt  }
0x5d: {  	_ =	shalt  }
0x5e: {  	_ =	shalt  }
0x5f: {  	_ =	shalt  }
0x60: {  	_ =	shalt  }
0x61: {  	_ =	shalt  }
0x62: {  	_ =	shalt  }
0x63: {  	_ =	shalt  }
0x64: {  	_ =	shalt  }
0x65: {  	_ =	shalt  }
0x66: {  	_ =	shalt  }
0x67: {  	_ =	shalt  }
0x68: {  	_ =	shalt  }
0x69: {  	_ =	shalt  }
0x6a: {  	_ =	shalt  }
0x6b: {  	_ =	shalt  }
0x6c: {  	_ =	shalt  }
0x6d: {  	_ =	shalt  }
0x6e: {  	_ =	shalt  }
0x6f: {  	_ =	shalt  }
0x70: {  	_ =	shalt  }
0x71: {  	_ =	shalt  }
0x72: {  	_ =	shalt  }
0x73: {  	_ =	shalt  }
0x74: {  	_ =	shalt  }
0x75: {  	_ =	shalt  }
0x76: {  	_ =	shalt  }
0x77: {  	_ =	shalt  }
0x78: {  	_ =	shalt  }
0x79: {  	_ =	shalt  }
0x7a: {  	_ =	shalt  }
0x7b: {  	_ =	shalt  }
0x7c: {  	_ =	shalt  }
0x7d: {  	_ =	shalt  }
0x7e: {  	_ =	shalt  }
0x7f: {  	_ =	shalt  }
0x80: {  	_ =	shalt  }
0x81: {  	_ =	shalt  }
0x82: {  	_ =	shalt  }
0x83: {  	_ =	shalt  }
0x84: {  	_ =	shalt  }
0x85: {  	_ =	shalt  }
0x86: {  	_ =	shalt  }
0x87: {  	_ =	shalt  }
.Lfunc_end0:
.L_simem_size_0:
called_computation_lowered:
.L_overlay_start_0:
0x88: {  	s2 =	sld [smem:$0x3FD9]  }
0x89: {  	s3 =	sld [smem:$0x3FFE];
	_ =	sdelay $0x1  }
0x8a: {  	s1 =	srdreg.scid  }
0x8b: {  	s0 =	sand.u32 $0x1, s1  }
0x8c: {  	s17 =	sshll.u32 s0, $0xA;
	s2 =	sadd.s32 s3, s2  }
0x8d: {  	s2 =	sadd.s32 s2, s17  }
0x8e: {  	[smem:$0x3FC0] =	sst s2  }
0x8f: {  	_ = 	snop  }
0x90: {  	s2 =	sld [smem:$0x3FD0];
	(tm) =	ssettm $0x1  }
0x91: {  	s18 =	sld [smem:$0x3FFB];
	_ =	sdelay $0x3  }
0x92: {  	_ =	strace s18  }
0x93: {  	s3 =	sld [smem:$0x3FFC];
	_ =	sdelay $0x3  }
0x94: {  	_ =	strace s3  }
0x95: {  	s3 =	sld [smem:$0x3FFD];
	_ =	sdelay $0x3  }
0x96: {  	_ =	strace s3  }
0x97: {  	_ =	strace $0x8FFFFFFF  }
0x98: {  	s19 =	sld [smem:$0x3FDB];
	_ =	sdelay $0x1  }
0x99: {  	s4 =	simm.s32 $_scs_section_size  }
0x9a: {  	s5 =	simm.s32 $_size__tile_overlayer_lowered;
	s6 =	simm.s32 $_tile_overlayer_lowered  }
0x9b: {  	s22 =	simm.s32 $0x1BFF;
	s21 =	sshll.u32 s6, $0x1;
	s3 =	sadd.s32 s4, s19  }
0x9c: {  	s7 =	simm.s32 $0x0;
	s20 =	sshll.u32 s5, $0x1;
	s5 =	sadd.s32 s21, s3  }
0x9d: {  	[timem:s7], [sflag:s22] =	dma.local [hbm:s5], s20  }
0x9e: {  	_ =	swait.ge [sflag:s22], s20  }
0x9f: {  	s4 =	ssub.s32 $0x0, s20;
	[sflag:s22] =	ssyncset.done $0x0  }
0xa0: {  	[sflag:s22] =	ssyncadd.s32 s4;
	_ =	sdelay $0x1  }
0xa1: {  	s23 =	simm.s32 $0x1B8B  }
0xa2: {  	_ =	swait.ge [sflag:s23], $0x1  }
0xa3: {  	[sflag:s23] =	ssyncset.done $0x0  }
0xa4: {  	s25 =	simm.s32 $0x1B8E;
	s24 =	sld [smem:$0x3FFE];
	[sflag:s23] =	ssyncadd.s32 $0xFFFFFFFF  }
0xa5: {  	s26 =	simm.s32 $execute0_lowered;
	[smem:$0x3FD2] =	sst s25  }
0xa6: {  	s5 =	sshll.u32 s26, $0x1;
	_ =	strace $0x80000049;
	[dreg:$0x1] =	wrdreg $0xFFFFFFFF  }
0xa7: {  	s28 =	simm.s32 $_size_execute0_lowered;
	s3 =	sadd.s32 s3, s5;
	[dreg:$0x0] =	wrdreg $0x0  }
0xa8: {  	s5 =	sshll.u32 s28, $0x1;
	[dreg:$0x2] =	wrdreg s3  }
0xa9: {  	[dreg:$0x3] =	wrdreg s5  }
0xaa: {  	[dreg:$0x4] =	wrdreg $0xC0  }
0xab: {  	_ =	task [dreg:s7], $0x5FFFF  }
0xac: {  	[dreg:$0x1] =	wrdreg $0xFFFFFFFF  }
0xad: {  	[dreg:$0x0] =	wrdreg $0x60  }
0xae: {  	[dreg:$0x2] =	wrdreg s2  }
0xaf: {  	[dreg:$0x3] =	wrdreg s24  }
0xb0: {  	[dreg:$0x4] =	wrdreg $0x6A000  }
0xb1: {  	[dreg:$0x5] =	wrdreg $0x9  }
0xb2: {  	_ =	task.clear_ibuf [dreg:s7], $0x6FFFF;
	_ =	strace $0x90000049  }
0xb3: {  	s29 =	simm.s32 $0x9;
	_ =	strace $0x8000004B  }
0xb4: {  	_ =	swait.ge [sflag:s29], $0x1  }
0xb5: {  	[sflag:s29] =	ssyncadd.s32 $0xFFFFFFFF  }
0xb6: {  	_ =	strace $0x9000004B  }
0xb7: {  	_ =	sfence  }
0xb8: {  	s30 =	sld [smem:$0x0];
	_ =	sdelay $0x2  }
0xb9: {  	s31 =	sshll.u32 s1, $0xD;
	s1 =	sshrl.u32 s1, $0x2  }
0xba: {  	s3 =	sand.u32 $0x4000, s31;
	s1 =	sadd.s32 s1, s30  }
0xbb: {  	s0 =	sor.u32 s3, s0;
	s1 =	sshll.u32 s1, $0x11  }
0xbc: {  	s0 =	sor.u32 s1, s0  }
0xbd: {  	s0 =	sadd.s32 $0x8F2B, s0  }
0xbe: {  	[sflag:s0] =	ssyncadd.remote.s32 $0x1  }
0xbf: {  	_ =	sfence.sel $0xFFFF  }
0xc0: {  	[dreg:$0x0] =	wrdreg $0xFFFFFFFF;
	(pc) =	sbr.abs _section_cstart, $3  }
0xc1: {  	[dreg:$0x1] =	wrdreg $0xFFFFFFFF  }
0xc2: {  	_ =	task.clear_ibuf [dreg:s7], $0x2FFFF;
	_ =	strace $0x9FFFFFFF  }
0xc3: {  	(tm) =	ssettm $0x7FFFFFFF  }
tec
execute0_lowered:
.L_overlay_start_1:
0x0: {  	(tag) =	ssettag $0x1  }
0x1: {  	s12 =	rddreg [dreg:$0x0]  }
0x2: {  	s0 =	srdreg.scid;
	s7 =	rddreg [dreg:$0x1]  }
0x3: {  	s13 =	stileid.u32;
	s1 =	rddreg [dreg:$0x2];
	s2 =	simm.s32 $0x0  }
0x4: {  	s19 =	simm.s32 $0x200;
	s20 =	simm.s32 $0x1;
	s21 =	simm.s32 $0x80  }
0x5: {  	s22 =	simm.s32 $0x3600;
	s23 =	simm.s32 $0x2;
	s3 =	smul.u32 $0x6400, s13  }
0x6: {  	s24 =	simm.s32 $0x180;
	s25 =	simm.s32 $0x0;
	s5 =	smul.u32 $0x4E000, s13  }
0x7: {  	s14 =	sand.u32 $0x1, s0;
	s0 =	rddreg [dreg:$0x3];
	s9 =	smul.u32 $0x2700, s13  }
0x8: {  	[smem:$0x7FF] =	sst s2;
	s8 =	sadd.s32 $0x5EE00, s7;
	s4 =	smul.u32 $0x3200, s14  }
0x9: {  	s31 =	sshll.u32 s13, $0x6;
	p0 =	sne.s32 s13, $0x0;
	s16 =	smul.u32 $0x138800, s14  }
0xa: {  	_ =	strace $0x8000004A;
	s6 =	ssub.s32 $0x2, s14;
	s18 =	smul.u32 $0x27100, s14  }
0xb: {  	p1 =	sne.s32 s14, $0x0;
	s13 =	sor.u32 $0x1C03, s31;
	s10 =	sshrl.u32 s6, $0x1  }
0xc: {  	s5 =	sshrl.u32 s5, $0x2;
	s3 =	sadd.s32 s4, s3;
	s4 =	sadd.s32 $0x5C600, s7  }
0xd: {  	s10 =	ssub.s32 s6, s10;
	s17 =	sadd.s32 s5, s1;
	s5 =	sadd.s32 $0x138000, s1  }
0xe: {  	s16 =	sshrl.u32 s16, $0x3;
	s15 =	sshrl.u32 s3, $0x3;
	s3 =	sadd.s32 $0x35400, s7  }
0xf: {  	s16 =	sadd.s32 s8, s16;
	s10 =	smax.u32 s10, $0x1;
	s14 =	sshrl.u32 s17, $0x3  }
0x10: {  	s17 =	simm.s32 $0x100;
	s11 =	sadd.s32 s15, s7;
	s6 =	sadd.s32 s3, s9  }
0x11: {  	s7 =	sadd.s32 $0x5C400, s7;
	s9 =	sadd.s32 s9, s18;
	s12 =	sadd.s32 s15, s12  }
0x12: {  	s15 =	simm.s32 $0x3;
	s18 =	simm.s32 $0x64;
	s8 =	sadd.s32 s8, s9  }
0x13: {  	s9 =	sadd.s32 $0x27000, s16;
	s11 =	sadd.s32 $0x28C00, s11;
	s16 =	sshrl.u32 s5, $0x3  }
.LBB2_1:
.Ltmp0:
0x14: {  	(pc) =	sbr.rel @p1 .LBB2_4-.Ltmp0, $1  }
0x15: {  	_ =	sdelay $0x3  }
.Ltmp1:
0x16: {  	(pc) =	sbr.rel @p0 .LBB2_7-.Ltmp1, $4  }
0x17: {  	[spmem:s14], [sflag:s13] =	dma.local [hbm:s6], $0x2700  }
0x18: {  	_ =	swait.ge [sflag:s15], $0x2700  }
0x19: {  	[sflag:s15] =	ssyncset.done $0x0  }
0x1a: {  	[sflag:s15] =	ssyncadd.s32 $0xFFFFD900  }
.Ltmp2:
0x1b: {  	(pc) =	sbr.rel .LBB2_6-.Ltmp2, $2  }
0x1c: {  	_ =	sdelay $0x2  }
0x1d: {  	[spmem:s16], [sflag:s13] =	dma.local [hbm:s7], $0x100  }
.LBB2_4:
.Ltmp3:
0x1e: {  	(pc) =	sbr.rel @p0 .LBB2_7-.Ltmp3, $4  }
0x1f: {  	[spmem:s14], [sflag:s13] =	dma.local [hbm:s4], $0x2700  }
0x20: {  	_ =	swait.ge [sflag:s15], $0x2700  }
0x21: {  	[sflag:s15] =	ssyncset.done $0x0  }
0x22: {  	[sflag:s15] =	ssyncadd.s32 $0xFFFFD900  }
0x23: {  	[spmem:s16], [sflag:s13] =	dma.local [hbm:s4], $0x100  }
.LBB2_6:
0x24: {  	_ =	swait.ge [sflag:s15], $0x100  }
0x25: {  	[sflag:s15] =	ssyncset.done $0x0  }
0x26: {  	[sflag:s15] =	ssyncadd.s32 $0xFFFFFF00  }
.LBB2_7:
0x27: {  	[bflag:$0x0] =	sbarrier.arrive $0xFFFF;
	s26 =	sadd.s32 $0x0, s12  }
0x28: {  	[tilespmem:s2], [sflag:$0x3] =	stream.linear.gather [hbm4b:s26+s2], $0x100, $0x38;
	[tilespmem:$0x1A280] =	vst v63  }
0x29: {  	_ =	swait.ge [sflag:s15], $0x100  }
0x2a: {  	[sflag:s15] =	ssyncset.done $0x0  }
0x2b: {  	s31 =	sadd.s32 $0x0, s11;
	[sflag:s15] =	ssyncadd.s32 $0xFFFFFF00  }
0x2c: {  	[tilespmem:s17], [sflag:$0x3] =	stream.linear.gather [hbm4b:s31+s2], $0x100, $0x38;
	[tilespmem:$0x1A280] =	vst v63  }
0x2d: {  	_ =	swait.ge [sflag:s15], $0x100  }
0x2e: {  	[sflag:s15] =	ssyncset.done $0x0  }
0x2f: {  	[sflag:s15] =	ssyncadd.s32 $0xFFFFFF00  }
0x30: {  	[tilespmem:s19], [sflag:$0x1] =	stream.indirect.gather [hbm4b:s3+s18], $0x80, s2, s18, $0xb8;
	[tilespmem:$0x1A280] =	vst v63  }
0x31: {  	_ =	swait.ge [sflag:s20], $0x3200  }
0x32: {  	[sflag:s20] =	ssyncset.done $0x0  }
0x33: {  	[sflag:s20] =	ssyncadd.s32 $0xFFFFCE00  }
0x34: {  	[tilespmem:s22], [sflag:$0x2] =	stream.indirect.gather [hbm4b:s3+s18], $0x80, s21, s18, $0xb8;
	[tilespmem:$0x1A280] =	vst v63  }
0x35: {  	_ = 	snop  }
0x36: {  	[spmem:s1] =	stream.indirect.scatter.add.f32 [tilespmem:s19], [sflag:$0x3], $0x80, s17, s18, $0xb8;
	[tilespmem:$0x1A280] =	vst v63  }
0x37: {  	_ =	swait.ge [sflag:s15], $0x3200  }
0x38: {  	[sflag:s15] =	ssyncset.done $0x0  }
0x39: {  	[sflag:s15] =	ssyncadd.s32 $0xFFFFCE00  }
0x3a: {  	_ =	swait.ge [sflag:s23], $0x3200  }
0x3b: {  	[sflag:s23] =	ssyncset.done $0x0  }
0x3c: {  	[sflag:s23] =	ssyncadd.s32 $0xFFFFCE00  }
0x3d: {  	[spmem:s1] =	stream.indirect.scatter.add.f32 [tilespmem:s22], [sflag:$0x3], $0x80, s24, s18, $0xb8;
	[tilespmem:$0x1A280] =	vst v63  }
0x3e: {  	_ =	swait.ge [sflag:s15], $0x3200  }
0x3f: {  	s28 =	simm.s32 $0x40;
	s26 =	simm.s32 $0x20;
	[sflag:s15] =	ssyncset.done $0x0  }
.LBB2_8:
0x40: {  	s29 =	sadd.s32 s26, s12  }
0x41: {  	[sflag:s15] =	ssyncadd.s32 $0xFFFFCE00;
	s30 =	smov.u32 s28;
	s31 =	sadd.s32 $0x20, s28  }
0x42: {  	[tilespmem:s2], [sflag:$0x3] =	stream.linear.gather [hbm4b:s29+s2], $0x100, $0x38;
	[tilespmem:$0x1A280] =	vst v63  }
0x43: {  	p2 =	sne.s32 s28, $0x620;
	_ =	swait.ge [sflag:s15], $0x100  }
0x44: {  	[sflag:s15] =	ssyncset.done $0x0  }
0x45: {  	s28 =	sadd.s32 s26, s11;
	s26 =	smov.u32 s30;
	[sflag:s15] =	ssyncadd.s32 $0xFFFFFF00  }
0x46: {  	[tilespmem:s17], [sflag:$0x3] =	stream.linear.gather [hbm4b:s28+s2], $0x100, $0x38;
	[tilespmem:$0x1A280] =	vst v63  }
0x47: {  	_ =	swait.ge [sflag:s15], $0x100  }
0x48: {  	[sflag:s15] =	ssyncset.done $0x0  }
0x49: {  	[sflag:s15] =	ssyncadd.s32 $0xFFFFFF00  }
0x4a: {  	[tilespmem:s19], [sflag:$0x1] =	stream.indirect.gather [hbm4b:s3+s18], $0x80, s2, s18, $0xb8;
	[tilespmem:$0x1A280] =	vst v63  }
0x4b: {  	_ =	swait.ge [sflag:s20], $0x3200  }
0x4c: {  	[sflag:s20] =	ssyncset.done $0x0  }
0x4d: {  	[sflag:s20] =	ssyncadd.s32 $0xFFFFCE00  }
0x4e: {  	[tilespmem:s22], [sflag:$0x2] =	stream.indirect.gather [hbm4b:s3+s18], $0x80, s21, s18, $0xb8;
	[tilespmem:$0x1A280] =	vst v63  }
0x4f: {  	_ = 	snop  }
0x50: {  	[spmem:s1] =	stream.indirect.scatter.add.f32 [tilespmem:s19], [sflag:$0x3], $0x80, s17, s18, $0xb8;
	[tilespmem:$0x1A280] =	vst v63  }
0x51: {  	_ =	swait.ge [sflag:s15], $0x3200  }
0x52: {  	[sflag:s15] =	ssyncset.done $0x0  }
0x53: {  	[sflag:s15] =	ssyncadd.s32 $0xFFFFCE00  }
0x54: {  	_ =	swait.ge [sflag:s23], $0x3200  }
.Ltmp4:
0x55: {  	[sflag:s23] =	ssyncset.done $0x0;
	(pc) =	sbr.rel @p2 .LBB2_8-.Ltmp4, $4  }
0x56: {  	[sflag:s23] =	ssyncadd.s32 $0xFFFFCE00  }
0x57: {  	[spmem:s1] =	stream.indirect.scatter.add.f32 [tilespmem:s22], [sflag:$0x3], $0x80, s24, s18, $0xb8;
	[tilespmem:$0x1A280] =	vst v63  }
0x58: {  	_ =	swait.ge [sflag:s15], $0x3200  }
0x59: {  	s28 =	smov.u32 s31;
	[sflag:s15] =	ssyncset.done $0x0  }
0x5a: {  	s28 =	sadd.s32 s26, s12;
	[sflag:s15] =	ssyncadd.s32 $0xFFFFCE00  }
0x5b: {  	[tilespmem:s2], [sflag:$0x3] =	stream.linear.gather [hbm4b:s28+s2], $0x100, $0x38;
	[tilespmem:$0x1A280] =	vst v63  }
0x5c: {  	_ =	swait.ge [sflag:s15], $0x100  }
0x5d: {  	[sflag:s15] =	ssyncset.done $0x0  }
0x5e: {  	s31 =	sadd.s32 s26, s11;
	[sflag:s15] =	ssyncadd.s32 $0xFFFFFF00  }
0x5f: {  	[tilespmem:s17], [sflag:$0x3] =	stream.linear.gather [hbm4b:s31+s2], $0x100, $0x38;
	[tilespmem:$0x1A280] =	vst v63  }
0x60: {  	_ =	swait.ge [sflag:s15], $0x100  }
0x61: {  	[sflag:s15] =	ssyncset.done $0x0  }
0x62: {  	[sflag:s15] =	ssyncadd.s32 $0xFFFFFF00  }
0x63: {  	[tilespmem:s19], [sflag:$0x1] =	stream.indirect.gather [hbm4b:s3+s18], $0x80, s2, s18, $0xb8;
	[tilespmem:$0x1A280] =	vst v63  }
0x64: {  	_ =	swait.ge [sflag:s20], $0x3200  }
0x65: {  	[sflag:s20] =	ssyncset.done $0x0  }
0x66: {  	[sflag:s20] =	ssyncadd.s32 $0xFFFFCE00  }
0x67: {  	[tilespmem:s22], [sflag:$0x2] =	stream.indirect.gather [hbm4b:s3+s18], $0x80, s21, s18, $0xb8;
	[tilespmem:$0x1A280] =	vst v63  }
0x68: {  	_ = 	snop  }
0x69: {  	[spmem:s1] =	stream.indirect.scatter.add.f32 [tilespmem:s19], [sflag:$0x3], $0x80, s17, s18, $0xb8;
	[tilespmem:$0x1A280] =	vst v63  }
0x6a: {  	_ =	swait.ge [sflag:s15], $0x3200  }
0x6b: {  	[sflag:s15] =	ssyncset.done $0x0  }
0x6c: {  	[sflag:s15] =	ssyncadd.s32 $0xFFFFCE00  }
0x6d: {  	_ =	swait.ge [sflag:s23], $0x3200  }
0x6e: {  	[sflag:s23] =	ssyncset.done $0x0  }
0x6f: {  	[sflag:s23] =	ssyncadd.s32 $0xFFFFCE00  }
0x70: {  	[spmem:s1] =	stream.indirect.scatter.add.f32 [tilespmem:s22], [sflag:$0x3], $0x80, s24, s18, $0xb8;
	[tilespmem:$0x1A280] =	vst v63  }
0x71: {  	_ =	swait.ge [sflag:s15], $0x3200  }
0x72: {  	[sflag:s15] =	ssyncset.done $0x0  }
0x73: {  	[sflag:s15] =	ssyncadd.s32 $0xFFFFCE00  }
0x74: {  	[bflag:$0x0] =	sbarrier.arrive $0xFFFF  }
0x75: {  	[hbm:s8], [sflag:s13] =	dma.local [spmem:s14], $0x2700  }
0x76: {  	_ =	swait.ge [sflag:s15], $0x2700  }
0x77: {  	s25 =	sadd.s32 $0x1, s25;
	[sflag:s15] =	ssyncset.done $0x0  }
0x78: {  	s26 =	sshrl.u32 @!p0 s5, $0x3;
	p2 =	sne.s32 s25, s10;
	[sflag:s15] =	ssyncadd.s32 $0xFFFFD900  }
0x79: {  	[hbm:s9], [sflag:s13] =	dma.local @!p0 [spmem:s26], $0x100  }
.Ltmp5:
0x7a: {  	_ = 	snop;
	(pc) =	sbr.rel @p2 .LBB2_1-.Ltmp5, $4  }
0x7b: {  	s26 =	simm.s32 @!p0 $0x3  }
0x7c: {  	_ =	swait.ge @!p0 [sflag:s26], $0x100  }
0x7d: {  	[sflag:s26] =	ssyncset.done @!p0 $0x0  }
0x7e: {  	[sflag:s26] =	ssyncadd.s32 @!p0 $0xFFFFFF00  }
0x7f: {  	_ =	sfence.sel $0x180000  }
0x80: {  	[bflag:$0x0] =	sbarrier.arrive $0xFFFF  }
0x81: {  	_ =	strace $0x9000004A  }
0x82: {  	s0 =	sadd.s32 @!p0 $0x100000, s0;
	[bflag:$0x2] =	sbarrier.arrive $0xFFFF  }
0x83: {  	[sflag:s0] =	ssyncadd.tile.s32 @!p0 $0x1;
	_ =	shalt  }
.Lfunc_end2:
_tile_overlayer_lowered:
.L_overlay_start_2:
0x84: {  	(tag) =	ssettag $0x2  }
0x85: {  	s0 =	rddreg [dreg:$0x0];
	s2 =	stileid.u32  }
0x86: {  	s1 =	rddreg [dreg:$0x1];
	p0 =	sne.s32 s2, $0x0  }
0x87: {  	s3 =	rddreg [dreg:$0x2];
	[bflag:$0x3] =	sbarrier.arrive $0xFFFF;
	s2 =	simm.s32 @!p0 $0x1C03  }
0x88: {  	[timem:s3], [sflag:s2] =	dma.local @!p0 [hbm:s0], s1  }
0x89: {  	s0 =	simm.s32 @!p0 $0x3  }
0x8a: {  	_ =	swait.ge @!p0 [sflag:s0], s1  }
0x8b: {  	s1 =	ssub.s32 @!p0 $0x0, s1;
	[sflag:s0] =	ssyncset.done @!p0 $0x0  }
0x8c: {  	[sflag:s0] =	ssyncadd.s32 @!p0 s1  }
0x8d: {  	[bflag:$0x3] =	sbarrier.arrive $0xFFFF  }
0x8e: {  	_ =	shalt  }

// kernel: kernel.4.cloned.1.call-start
scs
__scs_entry_jumppad:
0x0: {  	(pc) =	sbr.rel $0x88, $3  }
0x1: {  	(tag) =	ssettag $0x0;
	lr =	simm.s32 $0x1  }
0x2: {  	[smem:$0x3F99] =	sst lr;
	_ =	strace $0xD0000000  }
0x3: {  	_ = 	snop  }
0x4: {  	_ = 	snop  }
0x5: {  	_ = 	snop  }
0x6: {  	_ = 	snop  }
0x7: {  	_ = 	snop  }
__scs_overlays_trampoline_lowered:
0x8: {  	[smem:$0x3FA8] =	sst s0  }
0x9: {  	[smem:$0x3FA9] =	sst s1  }
0xa: {  	[smem:$0x3FAA] =	sst s2  }
0xb: {  	[smem:$0x3FAB] =	sst s3  }
0xc: {  	[smem:$0x3FAC] =	sst s4  }
0xd: {  	[smem:$0x3FAD] =	sst s5  }
0xe: {  	[smem:$0x3FAE] =	sst s6  }
0xf: {  	[smem:$0x3FAF] =	sst s7  }
0x10: {  	[smem:$0x3FB0] =	sst s8  }
0x11: {  	[smem:$0x3FB1] =	sst s9;
	s0 =	simm.s32 @!p0 $0x0  }
0x12: {  	s1 =	sld [smem:$0x3F97];
	s0 =	simm.s32 @p0 $0x1  }
0x13: {  	[smem:$0x3FB2] =	sst s0;
	s0 =	simm.s32 @!p1 $0x0  }
0x14: {  	s2 =	sld [smem:$0x3F96];
	s0 =	simm.s32 @p1 $0x1  }
0x15: {  	[smem:$0x3FB3] =	sst s0;
	s0 =	simm.s32 @!p2 $0x0  }
0x16: {  	s3 =	sld [smem:$0x3FDB];
	s0 =	simm.s32 @p2 $0x1  }
0x17: {  	s4 =	simm.s32 $0x1BF5;
	[smem:$0x3FB5] =	sst s0  }
0x18: {  	s0 =	sld [smem:$0x3F98];
	_ =	swait.ge [sflag:s4], $0x0  }
0x19: {  	s7 =	sld [smem:$0x3F99]  }
0x1a: {  	s8 =	sadd.s32 $0xFFFFE003, lr  }
0x1b: {  	s9 =	sadd.s32 $0xFFFFFEF7, lr;
	s5 =	simm.s32 $0xFFFFFFFF;
	p2 =	slt.u32 s8, $0xFFFFF086  }
0x1c: {  	p1 =	slt.u32 s9, $0xF7A;
	s5 =	simm.s32 @!p2 $0x0  }
0x1d: {  	s5 =	simm.s32 @p1 $0x1;
	p0 =	seq.s32 s7, s2  }
0x1e: {  	s7 =	smul.u32 @!p0 $0xF7A, s2;
	p2 =	seq.s32 @!p0 s5, $0x0  }
0x1f: {  	s9 =	smul.u32 $0xF7A, s1;
	s8 =	simm.s32 @!p0 $0x1BF5;
	p2 =	por !p2, p0  }
0x20: {  	[sflag:s8] =	ssyncset.s32 @!p0 $0xFFFFF086;
	s6 =	sadd.s32 @!p0 s3, s7;
	s7 =	simm.s32 @!p0 $0x108  }
0x21: {  	s3 =	sadd.s32 s3, s9;
	s6 =	sadd.s32 @!p0 $0x88, s6;
	s7 =	simm.s32 @p2 $0x1082  }
0x22: {  	[simem:s7], [sflag:s8] =	dma.local @!p0 [hbm:s6], $0xF7A  }
0x23: {  	s9 =	sor.u32 $0xD0000000, s2;
	s6 =	simm.s32 $0x108;
	_ =	swait.ge @!p0 [sflag:s8], $0x0  }
0x24: {  	s3 =	sadd.s32 $0x88, s3;
	s6 =	simm.s32 @!p1 $0x1082;
	[sflag:s4] =	ssyncset.s32 $0xFFFFF086  }
0x25: {  	[simem:s6], [sflag:s4] =	dma.local [hbm:s3], $0xF7A  }
0x26: {  	[smem:$0x3F99] =	sst s1;
	(tag) =	ssettag s2;
	_ =	strace s9  }
0x27: {  	s1 =	sld [smem:$0x3FA9]  }
0x28: {  	s2 =	sld [smem:$0x3FAA]  }
0x29: {  	s4 =	sld [smem:$0x3FAC]  }
0x2a: {  	p0 =	seq.s32 s5, $0x0;
	s5 =	sld [smem:$0x3FAD]  }
0x2b: {  	s6 =	sld [smem:$0x3FAE]  }
0x2c: {  	s7 =	sld [smem:$0x3FAF]  }
0x2d: {  	s3 =	simm.s32 $0x108;
	s8 =	sld [smem:$0x3FB0]  }
0x2e: {  	s3 =	simm.s32 @!p0 $0x1082;
	s9 =	sld [smem:$0x3FB1]  }
0x2f: {  	lr =	sadd.s32 s0, s3;
	s0 =	sld [smem:$0x3FA8]  }
0x30: {  	s3 =	sld [smem:$0x3FAB]  }
0x31: {  	[smem:$0x3FB4] =	sst s10  }
0x32: {  	s10 =	sld [smem:$0x3FB2];
	_ =	sdelay $0x3  }
0x33: {  	p0 =	seq.s32 s10, $0x1;
	s10 =	sld [smem:$0x3FB4];
	_ =	sdelay $0x3  }
0x34: {  	[smem:$0x3FB4] =	sst s10  }
0x35: {  	s10 =	sld [smem:$0x3FB3];
	_ =	sdelay $0x3  }
0x36: {  	p1 =	seq.s32 s10, $0x1;
	s10 =	sld [smem:$0x3FB4];
	_ =	sdelay $0x3  }
0x37: {  	[smem:$0x3FB4] =	sst s10  }
0x38: {  	s10 =	sld [smem:$0x3FB5]  }
0x39: {  	_ = 	snop;
	(pc) =	sbr.ind lr, $3  }
0x3a: {  	_ = 	snop  }
0x3b: {  	_ = 	snop  }
0x3c: {  	p2 =	seq.s32 s10, $0x1;
	s10 =	sld [smem:$0x3FB4]  }
0x3d: {  	_ =	shalt  }
0x3e: {  	_ =	shalt  }
0x3f: {  	_ =	shalt  }
0x40: {  	_ =	shalt  }
0x41: {  	_ =	shalt  }
0x42: {  	_ =	shalt  }
0x43: {  	_ =	shalt  }
0x44: {  	_ =	shalt  }
0x45: {  	_ =	shalt  }
0x46: {  	_ =	shalt  }
0x47: {  	_ =	shalt  }
0x48: {  	_ =	shalt  }
0x49: {  	_ =	shalt  }
0x4a: {  	_ =	shalt  }
0x4b: {  	_ =	shalt  }
0x4c: {  	_ =	shalt  }
0x4d: {  	_ =	shalt  }
0x4e: {  	_ =	shalt  }
0x4f: {  	_ =	shalt  }
0x50: {  	_ =	shalt  }
0x51: {  	_ =	shalt  }
0x52: {  	_ =	shalt  }
0x53: {  	_ =	shalt  }
0x54: {  	_ =	shalt  }
0x55: {  	_ =	shalt  }
0x56: {  	_ =	shalt  }
0x57: {  	_ =	shalt  }
0x58: {  	_ =	shalt  }
0x59: {  	_ =	shalt  }
0x5a: {  	_ =	shalt  }
0x5b: {  	_ =	shalt  }
0x5c: {  	_ =	shalt  }
0x5d: {  	_ =	shalt  }
0x5e: {  	_ =	shalt  }
0x5f: {  	_ =	shalt  }
0x60: {  	_ =	shalt  }
0x61: {  	_ =	shalt  }
0x62: {  	_ =	shalt  }
0x63: {  	_ =	shalt  }
0x64: {  	_ =	shalt  }
0x65: {  	_ =	shalt  }
0x66: {  	_ =	shalt  }
0x67: {  	_ =	shalt  }
0x68: {  	_ =	shalt  }
0x69: {  	_ =	shalt  }
0x6a: {  	_ =	shalt  }
0x6b: {  	_ =	shalt  }
0x6c: {  	_ =	shalt  }
0x6d: {  	_ =	shalt  }
0x6e: {  	_ =	shalt  }
0x6f: {  	_ =	shalt  }
0x70: {  	_ =	shalt  }
0x71: {  	_ =	shalt  }
0x72: {  	_ =	shalt  }
0x73: {  	_ =	shalt  }
0x74: {  	_ =	shalt  }
0x75: {  	_ =	shalt  }
0x76: {  	_ =	shalt  }
0x77: {  	_ =	shalt  }
0x78: {  	_ =	shalt  }
0x79: {  	_ =	shalt  }
0x7a: {  	_ =	shalt  }
0x7b: {  	_ =	shalt  }
0x7c: {  	_ =	shalt  }
0x7d: {  	_ =	shalt  }
0x7e: {  	_ =	shalt  }
0x7f: {  	_ =	shalt  }
0x80: {  	_ =	shalt  }
0x81: {  	_ =	shalt  }
0x82: {  	_ =	shalt  }
0x83: {  	_ =	shalt  }
0x84: {  	_ =	shalt  }
0x85: {  	_ =	shalt  }
0x86: {  	_ =	shalt  }
0x87: {  	_ =	shalt  }
.Lfunc_end0:
.L_simem_size_0:
called_computation.1_lowered:
.L_overlay_start_0:
0x88: {  	s2 =	sld [smem:$0x3FD9]  }
0x89: {  	s3 =	sld [smem:$0x3FFE];
	_ =	sdelay $0x1  }
0x8a: {  	s1 =	srdreg.scid  }
0x8b: {  	s0 =	sand.u32 $0x1, s1  }
0x8c: {  	s17 =	sshll.u32 s0, $0xA;
	s2 =	sadd.s32 s3, s2  }
0x8d: {  	s2 =	sadd.s32 s2, s17  }
0x8e: {  	[smem:$0x3FC0] =	sst s2  }
0x8f: {  	_ = 	snop  }
0x90: {  	s2 =	sld [smem:$0x3FD0];
	(tm) =	ssettm $0x1  }
0x91: {  	s18 =	sld [smem:$0x3FFB];
	_ =	sdelay $0x3  }
0x92: {  	_ =	strace s18  }
0x93: {  	s3 =	sld [smem:$0x3FFC];
	_ =	sdelay $0x3  }
0x94: {  	_ =	strace s3  }
0x95: {  	s3 =	sld [smem:$0x3FFD];
	_ =	sdelay $0x3  }
0x96: {  	_ =	strace s3  }
0x97: {  	_ =	strace $0x8FFFFFFF  }
0x98: {  	s19 =	sld [smem:$0x3FDB];
	_ =	sdelay $0x1  }
0x99: {  	s4 =	simm.s32 $_scs_section_size  }
0x9a: {  	s5 =	simm.s32 $_size__tile_overlayer_lowered;
	s6 =	simm.s32 $_tile_overlayer_lowered  }
0x9b: {  	s22 =	simm.s32 $0x1BFF;
	s21 =	sshll.u32 s6, $0x1;
	s3 =	sadd.s32 s4, s19  }
0x9c: {  	s7 =	simm.s32 $0x0;
	s20 =	sshll.u32 s5, $0x1;
	s5 =	sadd.s32 s21, s3  }
0x9d: {  	[timem:s7], [sflag:s22] =	dma.local [hbm:s5], s20  }
0x9e: {  	_ =	swait.ge [sflag:s22], s20  }
0x9f: {  	s4 =	ssub.s32 $0x0, s20;
	[sflag:s22] =	ssyncset.done $0x0  }
0xa0: {  	[sflag:s22] =	ssyncadd.s32 s4;
	_ =	sdelay $0x1  }
0xa1: {  	s23 =	simm.s32 $0x1B8B  }
0xa2: {  	_ =	swait.ge [sflag:s23], $0x1  }
0xa3: {  	[sflag:s23] =	ssyncset.done $0x0  }
0xa4: {  	s25 =	simm.s32 $0x1B8E;
	s24 =	sld [smem:$0x3FFE];
	[sflag:s23] =	ssyncadd.s32 $0xFFFFFFFF  }
0xa5: {  	s26 =	simm.s32 $execute0_lowered;
	[smem:$0x3FD2] =	sst s25  }
0xa6: {  	s5 =	sshll.u32 s26, $0x1;
	_ =	strace $0x80000046;
	[dreg:$0x1] =	wrdreg $0xFFFFFFFF  }
0xa7: {  	s28 =	simm.s32 $_size_execute0_lowered;
	s3 =	sadd.s32 s3, s5;
	[dreg:$0x0] =	wrdreg $0x0  }
0xa8: {  	s5 =	sshll.u32 s28, $0x1;
	[dreg:$0x2] =	wrdreg s3  }
0xa9: {  	[dreg:$0x3] =	wrdreg s5  }
0xaa: {  	[dreg:$0x4] =	wrdreg $0xC0  }
0xab: {  	_ =	task [dreg:s7], $0x5FFFF  }
0xac: {  	[dreg:$0x1] =	wrdreg $0xFFFFFFFF  }
0xad: {  	[dreg:$0x0] =	wrdreg $0x60  }
0xae: {  	[dreg:$0x2] =	wrdreg s2  }
0xaf: {  	[dreg:$0x3] =	wrdreg s24  }
0xb0: {  	[dreg:$0x4] =	wrdreg $0x6A000  }
0xb1: {  	[dreg:$0x5] =	wrdreg $0x9  }
0xb2: {  	_ =	task.clear_ibuf [dreg:s7], $0x6FFFF;
	_ =	strace $0x90000046  }
0xb3: {  	s29 =	simm.s32 $0x9;
	_ =	strace $0x80000048  }
0xb4: {  	_ =	swait.ge [sflag:s29], $0x1  }
0xb5: {  	[sflag:s29] =	ssyncadd.s32 $0xFFFFFFFF  }
0xb6: {  	_ =	strace $0x90000048  }
0xb7: {  	_ =	sfence  }
0xb8: {  	s30 =	sld [smem:$0x0];
	_ =	sdelay $0x2  }
0xb9: {  	s31 =	sshll.u32 s1, $0xD;
	s1 =	sshrl.u32 s1, $0x2  }
0xba: {  	s3 =	sand.u32 $0x4000, s31;
	s1 =	sadd.s32 s1, s30  }
0xbb: {  	s0 =	sor.u32 s3, s0;
	s1 =	sshll.u32 s1, $0x11  }
0xbc: {  	s0 =	sor.u32 s1, s0  }
0xbd: {  	s0 =	sadd.s32 $0x8F2B, s0  }
0xbe: {  	[sflag:s0] =	ssyncadd.remote.s32 $0x1  }
0xbf: {  	_ =	sfence.sel $0xFFFF  }
0xc0: {  	[dreg:$0x0] =	wrdreg $0xFFFFFFFF;
	(pc) =	sbr.abs _section_cstart, $3  }
0xc1: {  	[dreg:$0x1] =	wrdreg $0xFFFFFFFF  }
0xc2: {  	_ =	task.clear_ibuf [dreg:s7], $0x2FFFF;
	_ =	strace $0x9FFFFFFF  }
0xc3: {  	(tm) =	ssettm $0x7FFFFFFF  }
tec
execute0_lowered:
.L_overlay_start_1:
0x0: {  	(tag) =	ssettag $0x1  }
0x1: {  	s12 =	rddreg [dreg:$0x0]  }
0x2: {  	s0 =	srdreg.scid;
	s7 =	rddreg [dreg:$0x1]  }
0x3: {  	s13 =	stileid.u32;
	s1 =	rddreg [dreg:$0x2];
	s2 =	simm.s32 $0x0  }
0x4: {  	s19 =	simm.s32 $0x200;
	s20 =	simm.s32 $0x1;
	s21 =	simm.s32 $0x80  }
0x5: {  	s22 =	simm.s32 $0x3600;
	s23 =	simm.s32 $0x2;
	s3 =	smul.u32 $0x6400, s13  }
0x6: {  	s24 =	simm.s32 $0x180;
	s25 =	simm.s32 $0x0;
	s5 =	smul.u32 $0x4E000, s13  }
0x7: {  	s14 =	sand.u32 $0x1, s0;
	s0 =	rddreg [dreg:$0x3];
	s9 =	smul.u32 $0x2700, s13  }
0x8: {  	[smem:$0x7FF] =	sst s2;
	s8 =	sadd.s32 $0x5EE00, s7;
	s4 =	smul.u32 $0x3200, s14  }
0x9: {  	s31 =	sshll.u32 s13, $0x6;
	p0 =	sne.s32 s13, $0x0;
	s16 =	smul.u32 $0x138800, s14  }
0xa: {  	_ =	strace $0x80000047;
	s6 =	ssub.s32 $0x2, s14;
	s18 =	smul.u32 $0x27100, s14  }
0xb: {  	p1 =	sne.s32 s14, $0x0;
	s13 =	sor.u32 $0x1C03, s31;
	s10 =	sshrl.u32 s6, $0x1  }
0xc: {  	s5 =	sshrl.u32 s5, $0x2;
	s3 =	sadd.s32 s4, s3;
	s4 =	sadd.s32 $0x35400, s7  }
0xd: {  	s10 =	ssub.s32 s6, s10;
	s17 =	sadd.s32 s5, s1;
	s5 =	sadd.s32 $0x138000, s1  }
0xe: {  	s16 =	sshrl.u32 s16, $0x3;
	s15 =	sshrl.u32 s3, $0x3;
	s3 =	sadd.s32 $0x37C00, s7  }
0xf: {  	s16 =	sadd.s32 s8, s16;
	s10 =	smax.u32 s10, $0x1;
	s14 =	sshrl.u32 s17, $0x3  }
0x10: {  	s17 =	simm.s32 $0x100;
	s11 =	sadd.s32 s15, s7;
	s6 =	sadd.s32 s3, s9  }
0x11: {  	s7 =	sadd.s32 $0x5EC00, s7;
	s9 =	sadd.s32 s9, s18;
	s12 =	sadd.s32 s15, s12  }
0x12: {  	s15 =	simm.s32 $0x3;
	s18 =	simm.s32 $0x64;
	s8 =	sadd.s32 s8, s9  }
0x13: {  	s9 =	sadd.s32 $0x27000, s16;
	s11 =	sadd.s32 $0x28C00, s11;
	s16 =	sshrl.u32 s5, $0x3  }
.LBB2_1:
.Ltmp0:
0x14: {  	(pc) =	sbr.rel @p1 .LBB2_4-.Ltmp0, $1  }
0x15: {  	_ =	sdelay $0x3  }
.Ltmp1:
0x16: {  	(pc) =	sbr.rel @p0 .LBB2_7-.Ltmp1, $4  }
0x17: {  	[spmem:s14], [sflag:s13] =	dma.local [hbm:s6], $0x2700  }
0x18: {  	_ =	swait.ge [sflag:s15], $0x2700  }
0x19: {  	[sflag:s15] =	ssyncset.done $0x0  }
0x1a: {  	[sflag:s15] =	ssyncadd.s32 $0xFFFFD900  }
.Ltmp2:
0x1b: {  	(pc) =	sbr.rel .LBB2_6-.Ltmp2, $2  }
0x1c: {  	_ =	sdelay $0x2  }
0x1d: {  	[spmem:s16], [sflag:s13] =	dma.local [hbm:s7], $0x100  }
.LBB2_4:
.Ltmp3:
0x1e: {  	(pc) =	sbr.rel @p0 .LBB2_7-.Ltmp3, $4  }
0x1f: {  	[spmem:s14], [sflag:s13] =	dma.local [hbm:s4], $0x2700  }
0x20: {  	_ =	swait.ge [sflag:s15], $0x2700  }
0x21: {  	[sflag:s15] =	ssyncset.done $0x0  }
0x22: {  	[sflag:s15] =	ssyncadd.s32 $0xFFFFD900  }
0x23: {  	[spmem:s16], [sflag:s13] =	dma.local [hbm:s4], $0x100  }
.LBB2_6:
0x24: {  	_ =	swait.ge [sflag:s15], $0x100  }
0x25: {  	[sflag:s15] =	ssyncset.done $0x0  }
0x26: {  	[sflag:s15] =	ssyncadd.s32 $0xFFFFFF00  }
.LBB2_7:
0x27: {  	[bflag:$0x0] =	sbarrier.arrive $0xFFFF;
	s26 =	sadd.s32 $0x0, s12  }
0x28: {  	[tilespmem:s2], [sflag:$0x3] =	stream.linear.gather [hbm4b:s26+s2], $0x100, $0x38;
	[tilespmem:$0x1A280] =	vst v63  }
0x29: {  	_ =	swait.ge [sflag:s15], $0x100  }
0x2a: {  	[sflag:s15] =	ssyncset.done $0x0  }
0x2b: {  	s31 =	sadd.s32 $0x0, s11;
	[sflag:s15] =	ssyncadd.s32 $0xFFFFFF00  }
0x2c: {  	[tilespmem:s17], [sflag:$0x3] =	stream.linear.gather [hbm4b:s31+s2], $0x100, $0x38;
	[tilespmem:$0x1A280] =	vst v63  }
0x2d: {  	_ =	swait.ge [sflag:s15], $0x100  }
0x2e: {  	[sflag:s15] =	ssyncset.done $0x0  }
0x2f: {  	[sflag:s15] =	ssyncadd.s32 $0xFFFFFF00  }
0x30: {  	[tilespmem:s19], [sflag:$0x1] =	stream.indirect.gather [hbm4b:s3+s18], $0x80, s2, s18, $0xb8;
	[tilespmem:$0x1A280] =	vst v63  }
0x31: {  	_ =	swait.ge [sflag:s20], $0x3200  }
0x32: {  	[sflag:s20] =	ssyncset.done $0x0  }
0x33: {  	[sflag:s20] =	ssyncadd.s32 $0xFFFFCE00  }
0x34: {  	[tilespmem:s22], [sflag:$0x2] =	stream.indirect.gather [hbm4b:s3+s18], $0x80, s21, s18, $0xb8;
	[tilespmem:$0x1A280] =	vst v63  }
0x35: {  	_ = 	snop  }
0x36: {  	[spmem:s1] =	stream.indirect.scatter.add.f32 [tilespmem:s19], [sflag:$0x3], $0x80, s17, s18, $0xb8;
	[tilespmem:$0x1A280] =	vst v63  }
0x37: {  	_ =	swait.ge [sflag:s15], $0x3200  }
0x38: {  	[sflag:s15] =	ssyncset.done $0x0  }
0x39: {  	[sflag:s15] =	ssyncadd.s32 $0xFFFFCE00  }
0x3a: {  	_ =	swait.ge [sflag:s23], $0x3200  }
0x3b: {  	[sflag:s23] =	ssyncset.done $0x0  }
0x3c: {  	[sflag:s23] =	ssyncadd.s32 $0xFFFFCE00  }
0x3d: {  	[spmem:s1] =	stream.indirect.scatter.add.f32 [tilespmem:s22], [sflag:$0x3], $0x80, s24, s18, $0xb8;
	[tilespmem:$0x1A280] =	vst v63  }
0x3e: {  	_ =	swait.ge [sflag:s15], $0x3200  }
0x3f: {  	s28 =	simm.s32 $0x40;
	s26 =	simm.s32 $0x20;
	[sflag:s15] =	ssyncset.done $0x0  }
.LBB2_8:
0x40: {  	s29 =	sadd.s32 s26, s12  }
0x41: {  	[sflag:s15] =	ssyncadd.s32 $0xFFFFCE00;
	s30 =	smov.u32 s28;
	s31 =	sadd.s32 $0x20, s28  }
0x42: {  	[tilespmem:s2], [sflag:$0x3] =	stream.linear.gather [hbm4b:s29+s2], $0x100, $0x38;
	[tilespmem:$0x1A280] =	vst v63  }
0x43: {  	p2 =	sne.s32 s28, $0x620;
	_ =	swait.ge [sflag:s15], $0x100  }
0x44: {  	[sflag:s15] =	ssyncset.done $0x0  }
0x45: {  	s28 =	sadd.s32 s26, s11;
	s26 =	smov.u32 s30;
	[sflag:s15] =	ssyncadd.s32 $0xFFFFFF00  }
0x46: {  	[tilespmem:s17], [sflag:$0x3] =	stream.linear.gather [hbm4b:s28+s2], $0x100, $0x38;
	[tilespmem:$0x1A280] =	vst v63  }
0x47: {  	_ =	swait.ge [sflag:s15], $0x100  }
0x48: {  	[sflag:s15] =	ssyncset.done $0x0  }
0x49: {  	[sflag:s15] =	ssyncadd.s32 $0xFFFFFF00  }
0x4a: {  	[tilespmem:s19], [sflag:$0x1] =	stream.indirect.gather [hbm4b:s3+s18], $0x80, s2, s18, $0xb8;
	[tilespmem:$0x1A280] =	vst v63  }
0x4b: {  	_ =	swait.ge [sflag:s20], $0x3200  }
0x4c: {  	[sflag:s20] =	ssyncset.done $0x0  }
0x4d: {  	[sflag:s20] =	ssyncadd.s32 $0xFFFFCE00  }
0x4e: {  	[tilespmem:s22], [sflag:$0x2] =	stream.indirect.gather [hbm4b:s3+s18], $0x80, s21, s18, $0xb8;
	[tilespmem:$0x1A280] =	vst v63  }
0x4f: {  	_ = 	snop  }
0x50: {  	[spmem:s1] =	stream.indirect.scatter.add.f32 [tilespmem:s19], [sflag:$0x3], $0x80, s17, s18, $0xb8;
	[tilespmem:$0x1A280] =	vst v63  }
0x51: {  	_ =	swait.ge [sflag:s15], $0x3200  }
0x52: {  	[sflag:s15] =	ssyncset.done $0x0  }
0x53: {  	[sflag:s15] =	ssyncadd.s32 $0xFFFFCE00  }
0x54: {  	_ =	swait.ge [sflag:s23], $0x3200  }
.Ltmp4:
0x55: {  	[sflag:s23] =	ssyncset.done $0x0;
	(pc) =	sbr.rel @p2 .LBB2_8-.Ltmp4, $4  }
0x56: {  	[sflag:s23] =	ssyncadd.s32 $0xFFFFCE00  }
0x57: {  	[spmem:s1] =	stream.indirect.scatter.add.f32 [tilespmem:s22], [sflag:$0x3], $0x80, s24, s18, $0xb8;
	[tilespmem:$0x1A280] =	vst v63  }
0x58: {  	_ =	swait.ge [sflag:s15], $0x3200  }
0x59: {  	s28 =	smov.u32 s31;
	[sflag:s15] =	ssyncset.done $0x0  }
0x5a: {  	s28 =	sadd.s32 s26, s12;
	[sflag:s15] =	ssyncadd.s32 $0xFFFFCE00  }
0x5b: {  	[tilespmem:s2], [sflag:$0x3] =	stream.linear.gather [hbm4b:s28+s2], $0x100, $0x38;
	[tilespmem:$0x1A280] =	vst v63  }
0x5c: {  	_ =	swait.ge [sflag:s15], $0x100  }
0x5d: {  	[sflag:s15] =	ssyncset.done $0x0  }
0x5e: {  	s31 =	sadd.s32 s26, s11;
	[sflag:s15] =	ssyncadd.s32 $0xFFFFFF00  }
0x5f: {  	[tilespmem:s17], [sflag:$0x3] =	stream.linear.gather [hbm4b:s31+s2], $0x100, $0x38;
	[tilespmem:$0x1A280] =	vst v63  }
0x60: {  	_ =	swait.ge [sflag:s15], $0x100  }
0x61: {  	[sflag:s15] =	ssyncset.done $0x0  }
0x62: {  	[sflag:s15] =	ssyncadd.s32 $0xFFFFFF00  }
0x63: {  	[tilespmem:s19], [sflag:$0x1] =	stream.indirect.gather [hbm4b:s3+s18], $0x80, s2, s18, $0xb8;
	[tilespmem:$0x1A280] =	vst v63  }
0x64: {  	_ =	swait.ge [sflag:s20], $0x3200  }
0x65: {  	[sflag:s20] =	ssyncset.done $0x0  }
0x66: {  	[sflag:s20] =	ssyncadd.s32 $0xFFFFCE00  }
0x67: {  	[tilespmem:s22], [sflag:$0x2] =	stream.indirect.gather [hbm4b:s3+s18], $0x80, s21, s18, $0xb8;
	[tilespmem:$0x1A280] =	vst v63  }
0x68: {  	_ = 	snop  }
0x69: {  	[spmem:s1] =	stream.indirect.scatter.add.f32 [tilespmem:s19], [sflag:$0x3], $0x80, s17, s18, $0xb8;
	[tilespmem:$0x1A280] =	vst v63  }
0x6a: {  	_ =	swait.ge [sflag:s15], $0x3200  }
0x6b: {  	[sflag:s15] =	ssyncset.done $0x0  }
0x6c: {  	[sflag:s15] =	ssyncadd.s32 $0xFFFFCE00  }
0x6d: {  	_ =	swait.ge [sflag:s23], $0x3200  }
0x6e: {  	[sflag:s23] =	ssyncset.done $0x0  }
0x6f: {  	[sflag:s23] =	ssyncadd.s32 $0xFFFFCE00  }
0x70: {  	[spmem:s1] =	stream.indirect.scatter.add.f32 [tilespmem:s22], [sflag:$0x3], $0x80, s24, s18, $0xb8;
	[tilespmem:$0x1A280] =	vst v63  }
0x71: {  	_ =	swait.ge [sflag:s15], $0x3200  }
0x72: {  	[sflag:s15] =	ssyncset.done $0x0  }
0x73: {  	[sflag:s15] =	ssyncadd.s32 $0xFFFFCE00  }
0x74: {  	[bflag:$0x0] =	sbarrier.arrive $0xFFFF  }
0x75: {  	[hbm:s8], [sflag:s13] =	dma.local [spmem:s14], $0x2700  }
0x76: {  	_ =	swait.ge [sflag:s15], $0x2700  }
0x77: {  	s25 =	sadd.s32 $0x1, s25;
	[sflag:s15] =	ssyncset.done $0x0  }
0x78: {  	s26 =	sshrl.u32 @!p0 s5, $0x3;
	p2 =	sne.s32 s25, s10;
	[sflag:s15] =	ssyncadd.s32 $0xFFFFD900  }
0x79: {  	[hbm:s9], [sflag:s13] =	dma.local @!p0 [spmem:s26], $0x100  }
.Ltmp5:
0x7a: {  	_ = 	snop;
	(pc) =	sbr.rel @p2 .LBB2_1-.Ltmp5, $4  }
0x7b: {  	s26 =	simm.s32 @!p0 $0x3  }
0x7c: {  	_ =	swait.ge @!p0 [sflag:s26], $0x100  }
0x7d: {  	[sflag:s26] =	ssyncset.done @!p0 $0x0  }
0x7e: {  	[sflag:s26] =	ssyncadd.s32 @!p0 $0xFFFFFF00  }
0x7f: {  	_ =	sfence.sel $0x180000  }
0x80: {  	[bflag:$0x0] =	sbarrier.arrive $0xFFFF  }
0x81: {  	_ =	strace $0x90000047  }
0x82: {  	s0 =	sadd.s32 @!p0 $0x100000, s0;
	[bflag:$0x2] =	sbarrier.arrive $0xFFFF  }
0x83: {  	[sflag:s0] =	ssyncadd.tile.s32 @!p0 $0x1;
	_ =	shalt  }
.Lfunc_end2:
_tile_overlayer_lowered:
.L_overlay_start_2:
0x84: {  	(tag) =	ssettag $0x2  }
0x85: {  	s0 =	rddreg [dreg:$0x0];
	s2 =	stileid.u32  }
0x86: {  	s1 =	rddreg [dreg:$0x1];
	p0 =	sne.s32 s2, $0x0  }
0x87: {  	s3 =	rddreg [dreg:$0x2];
	[bflag:$0x3] =	sbarrier.arrive $0xFFFF;
	s2 =	simm.s32 @!p0 $0x1C03  }
0x88: {  	[timem:s3], [sflag:s2] =	dma.local @!p0 [hbm:s0], s1  }
0x89: {  	s0 =	simm.s32 @!p0 $0x3  }
0x8a: {  	_ =	swait.ge @!p0 [sflag:s0], s1  }
0x8b: {  	s1 =	ssub.s32 @!p0 $0x0, s1;
	[sflag:s0] =	ssyncset.done @!p0 $0x0  }
0x8c: {  	[sflag:s0] =	ssyncadd.s32 @!p0 s1  }
0x8d: {  	[bflag:$0x3] =	sbarrier.arrive $0xFFFF  }
0x8e: {  	_ =	shalt  }

</sc_bundles>
